<compile_context>
chip_gen: v7x
topology: tpu7x:2x2x1
jax: 0.10.2.dev20260603
libtpu: 0.0.44.dev20260713+nightly
codegen_flags: <defaults>
</compile_context>

<pallas_src>
import functools

import jax
import jax.numpy as jnp
from jax import lax
from jax.experimental import pallas as pl
from jax.experimental.pallas import tpu as pltpu
from jax.experimental.pallas import tpu_sc as plsc

_K = 8
_V = 8192
_D = 768
_H = 3072
_NH = 12
_NB = 2
_C = 10
_S = 1024
_DH = _D // _NH

_NW = 32
_CH = 128

_HPT = 2
_GH = _NH // _HPT
_MT = 4
_HH = _H // _MT

def _layer_norm(x, g, b):
    m = jnp.mean(x, axis=-1, keepdims=True)
    v = jnp.var(x, axis=-1, keepdims=True)
    return (x - m) / jnp.sqrt(v + 1e-5) * g + b


def _dot(a, b):
    return lax.dot_general(a.astype(jnp.bfloat16), b.astype(jnp.bfloat16),
                           (((1,), (0,)), ((), ())),
                           preferred_element_type=jnp.float32)




def _sc_gather(emb_flat, idx):
    rows_per_w = (_K * _S) // _NW
    n_ch = rows_per_w // _CH

    mesh = plsc.VectorSubcoreMesh(core_axis_name="c", subcore_axis_name="s")

    @functools.partial(
        pl.kernel,
        out_type=jax.ShapeDtypeStruct((_K * _S, _D), jnp.float32),
        mesh=mesh,
        scratch_types=[
            pltpu.VMEM((_CH,), jnp.int32),
            pltpu.VMEM((_CH, _D), jnp.float32),
            pltpu.SemaphoreType.DMA,
        ],
    )
    def gk(emb_hbm, idx_hbm, out_hbm, idx_v, rows_v, sem):
        wid = lax.axis_index("s") * 2 + lax.axis_index("c")
        base = wid * rows_per_w
        kmodel = base // _S
        off = kmodel * _V
        s_base = base - kmodel * _S
        for c in range(n_ch):
            r0 = pl.multiple_of(base + c * _CH, 8)
            s0 = pl.multiple_of(s_base + c * _CH, 8)
            pltpu.sync_copy(idx_hbm.at[pl.ds(s0, _CH)], idx_v)
            for i in range(_CH // 16):
                sl = pl.ds(i * 16, 16)
                idx_v[sl] = idx_v[sl] + jnp.full((16,), off, jnp.int32)
            pltpu.async_copy(emb_hbm.at[idx_v], rows_v, sem).wait()
            pltpu.sync_copy(rows_v, out_hbm.at[pl.ds(r0, _CH)])

    return gk(emb_flat, idx)


def _add_pos(h, pos):
    def body(h_ref, pos_ref, out_ref):
        out_ref[0] = h_ref[0] + pos_ref[0]

    spec = pl.BlockSpec((1, _S, _D), lambda k: (k, 0, 0))
    return pl.pallas_call(
        body, grid=(_K,), in_specs=[spec, spec], out_specs=spec,
        out_shape=jax.ShapeDtypeStruct((_K, _S, _D), jnp.float32),
    )(h, pos)


def _qkv_call(h, wqkv, g, bln, b):
    def body(h_ref, w_ref, g_ref, b_ref, out_ref, a_s):
        j = pl.program_id(1)

        @pl.when(j == 0)
        def _():
            a_s[...] = _layer_norm(h_ref[0], g_ref[0, 0, 0], b_ref[0, 0, 0])

        out_ref[0, 0] = _dot(a_s[...], w_ref[0, 0, 0])

    return pl.pallas_call(
        body,
        grid=(_K, 3),
        in_specs=[
            pl.BlockSpec((1, _S, _D), lambda k, j: (k, 0, 0)),
            pl.BlockSpec((1, 1, 1, _D, _D), lambda k, j: (k, b, j, 0, 0)),
            pl.BlockSpec((1, 1, 1, _D), lambda k, j: (k, b, 0, 0)),
            pl.BlockSpec((1, 1, 1, _D), lambda k, j: (k, b, 0, 0)),
        ],
        out_specs=pl.BlockSpec((1, 1, _S, _D), lambda k, j: (k, j, 0, 0)),
        out_shape=jax.ShapeDtypeStruct((_K, 3, _S, _D), jnp.float32),
        scratch_shapes=[pltpu.VMEM((_S, _D), jnp.float32)],
    )(h, wqkv, g, bln)


def _attn_call(h, qkv, wot, b):
    def body(h_ref, qkv_ref, wo_ref, out_ref):
        g = pl.program_id(1)
        row = lax.broadcasted_iota(jnp.int32, (_S, _S), 0)
        col = lax.broadcasted_iota(jnp.int32, (_S, _S), 1)
        causal = row >= col

        @pl.when(g == 0)
        def _():
            out_ref[0] = h_ref[0]

        os = []
        for hh in range(_HPT):
            sl = slice(hh * _DH, (hh + 1) * _DH)
            qh = qkv_ref[0, 0, :, sl]
            kh = qkv_ref[0, 1, :, sl]
            vh = qkv_ref[0, 2, :, sl]
            s = lax.dot_general(qh.astype(jnp.bfloat16),
                                kh.astype(jnp.bfloat16),
                                (((1,), (1,)), ((), ())),
                                preferred_element_type=jnp.float32)
            s = s / jnp.sqrt(jnp.float32(_DH))
            s = jnp.where(causal, s, -1e9)
            p_ = jax.nn.softmax(s, axis=-1)
            os.append(_dot(p_, vh))
        o = jnp.concatenate(os, axis=1)
        out_ref[0] = out_ref[0] + _dot(o, wo_ref[0, 0, 0])

    hspec = pl.BlockSpec((1, _S, _D), lambda k, g: (k, 0, 0))
    return pl.pallas_call(
        body,
        grid=(_K, _GH),
        in_specs=[
            hspec,
            pl.BlockSpec((1, 3, _S, _HPT * _DH), lambda k, g: (k, 0, 0, g)),
            pl.BlockSpec((1, 1, 1, _HPT * _DH, _D), lambda k, g: (k, b, g, 0, 0)),
        ],
        out_specs=hspec,
        out_shape=jax.ShapeDtypeStruct((_K, _S, _D), jnp.float32),
    )(h, qkv, wot)


def _mlp_call(h, w1, b1, w2, b2, g, bln, b):
    def body(h_ref, w1_ref, b1_ref, w2_ref, b2_ref, g_ref, bln_ref, out_ref,
             a_s):
        t = pl.program_id(1)

        @pl.when(t == 0)
        def _():
            a_s[...] = _layer_norm(h_ref[0], g_ref[0, 0, 0], bln_ref[0, 0, 0])
            out_ref[0] = h_ref[0] + b2_ref[0, 0, 0]

        f = jax.nn.gelu(_dot(a_s[...], w1_ref[0, 0]) + b1_ref[0, 0, 0])
        out_ref[0] = out_ref[0] + _dot(f, w2_ref[0, 0])

    hspec = pl.BlockSpec((1, _S, _D), lambda k, t: (k, 0, 0))
    return pl.pallas_call(
        body,
        grid=(_K, _MT),
        in_specs=[
            hspec,
            pl.BlockSpec((1, 1, _D, _HH), lambda k, t: (k, b, 0, t)),
            pl.BlockSpec((1, 1, 1, _HH), lambda k, t: (k, b, 0, t)),
            pl.BlockSpec((1, 1, _HH, _D), lambda k, t: (k, b, t, 0)),
            pl.BlockSpec((1, 1, 1, _D), lambda k, t: (k, b, 0, 0)),
            pl.BlockSpec((1, 1, 1, _D), lambda k, t: (k, b, 0, 0)),
            pl.BlockSpec((1, 1, 1, _D), lambda k, t: (k, b, 0, 0)),
        ],
        out_specs=hspec,
        out_shape=jax.ShapeDtypeStruct((_K, _S, _D), jnp.float32),
        scratch_shapes=[pltpu.VMEM((_S, _D), jnp.float32)],
    )(h, w1, b1, w2, b2, g, bln)


def _head_call(h, g, bln, wcc, bcc):
    def body(h_ref, g_ref, b_ref, wcc_ref, bcc_ref,
             cls_ref, conf_ref, idx_ref, bconf_s, bcls_s, bidx_s):
        k = pl.program_id(0)
        hf = _layer_norm(h_ref[0], g_ref[0, 0], b_ref[0, 0])
        cc = _dot(hf, wcc_ref[0]) + bcc_ref[0, 0]
        cls = cc[:, :_C]
        conf = cc[:, _C:_C + 1]
        conf_ref[0] = conf

        @pl.when(k == 0)
        def _():
            bconf_s[...] = conf
            bcls_s[...] = cls
            bidx_s[...] = jnp.zeros((_S, 1), jnp.int32)

        @pl.when(k != 0)
        def _():
            upd = conf > bconf_s[...]
            bconf_s[...] = jnp.where(upd, conf, bconf_s[...])
            bcls_s[...] = jnp.where(upd, cls, bcls_s[...])
            bidx_s[...] = jnp.where(upd, k, bidx_s[...])

        @pl.when(k == _K - 1)
        def _():
            cls_ref[...] = bcls_s[...]
            idx_ref[...] = bidx_s[...]

    return pl.pallas_call(
        body,
        grid=(_K,),
        in_specs=[
            pl.BlockSpec((1, _S, _D), lambda kk: (kk, 0, 0)),
            pl.BlockSpec((1, 1, _D), lambda kk: (kk, 0, 0)),
            pl.BlockSpec((1, 1, _D), lambda kk: (kk, 0, 0)),
            pl.BlockSpec((1, _D, _C + 1), lambda kk: (kk, 0, 0)),
            pl.BlockSpec((1, 1, _C + 1), lambda kk: (kk, 0, 0)),
        ],
        out_specs=[
            pl.BlockSpec((_S, _C), lambda kk: (0, 0)),
            pl.BlockSpec((1, _S, 1), lambda kk: (kk, 0, 0)),
            pl.BlockSpec((_S, 1), lambda kk: (0, 0)),
        ],
        out_shape=[
            jax.ShapeDtypeStruct((_S, _C), jnp.float32),
            jax.ShapeDtypeStruct((_K, _S, 1), jnp.float32),
            jax.ShapeDtypeStruct((_S, 1), jnp.int32),
        ],
        scratch_shapes=[
            pltpu.VMEM((_S, 1), jnp.float32),
            pltpu.VMEM((_S, _C), jnp.float32),
            pltpu.VMEM((_S, 1), jnp.int32),
        ],
    )(h, g, bln, wcc, bcc)


def kernel(x_in, params):
    p = params
    emb_flat = p["emb"].reshape(_K * _V, _D)
    idx = x_in.reshape(_S).astype(jnp.int32)
    h = _sc_gather(emb_flat, idx).reshape(_K, _S, _D)
    h = _add_pos(h, p["pos"])

    wqkv = jnp.stack([p["Wq"], p["Wk"], p["Wv"]], axis=2)
    wot = p["Wo"].reshape(_K, _NB, _GH, _HPT * _DH, _D)
    g1 = p["ln1_g"].reshape(_K, _NB, 1, _D)
    b1ln = p["ln1_b"].reshape(_K, _NB, 1, _D)
    g2 = p["ln2_g"].reshape(_K, _NB, 1, _D)
    b2ln = p["ln2_b"].reshape(_K, _NB, 1, _D)
    b1 = p["b1"].reshape(_K, _NB, 1, _H)
    b2 = p["b2"].reshape(_K, _NB, 1, _D)

    for b in range(_NB):
        qkv = _qkv_call(h, wqkv, g1, b1ln, b)
        h = _attn_call(h, qkv, wot, b)
        h = _mlp_call(h, p["W1"], b1, p["W2"], b2, g2, b2ln, b)

    wcc = jnp.concatenate([p["Wcls"], p["Wconf"]], axis=-1)
    bcc = jnp.concatenate([p["bcls"], p["bconf"]], axis=-1)
    gf = p["lnf_g"].reshape(_K, 1, _D)
    bf = p["lnf_b"].reshape(_K, 1, _D)
    cls, conf, idxm = _head_call(h, gf, bf, wcc,
                                 bcc.reshape(_K, 1, _C + 1))
    out_cls = cls[None]
    comb_conf = conf[..., 0][None]
    activated = idxm[:, 0][None]
    return out_cls, comb_conf, activated

# --- scband reference (transcript-rebuilt; emitter-appended) ---
"""Pipeline reference for scband-mixture-of-models-41326175322733 (READ-ONLY COPY).

The authoritative reference and input builder live on the scoring server;
editing this copy changes nothing except your own understanding.
"""

import jax, jax.numpy as jnp
import numpy as np

K = 8
V = 8192
D = 768
H = 3072
NH = 12
NB = 2
C = 10
S = 1024
N = 1
DH = D // NH


def _ln(x, g, b):
    m = jnp.mean(x, axis=-1, keepdims=True)
    v = jnp.var(x, axis=-1, keepdims=True)
    return (x - m) / jnp.sqrt(v + 1e-5) * g + b


def setup_inputs(seed: int = 0):
    key = jax.random.key(seed)
    ks = jax.random.split(key, 16)

    def p(k, shape, s=0.02):
        return (jax.random.normal(k, shape, dtype=jnp.float32) * s).astype(jnp.float32)

    params = {
        "emb": p(ks[0], (K, V, D)),
        "pos": p(ks[1], (K, S, D)),
        "Wq": p(ks[2], (K, NB, D, D)),
        "Wk": p(ks[3], (K, NB, D, D)),
        "Wv": p(ks[4], (K, NB, D, D)),
        "Wo": p(ks[5], (K, NB, D, D)),
        "ln1_g": jnp.ones((K, NB, D), jnp.float32),
        "ln1_b": jnp.zeros((K, NB, D), jnp.float32),
        "ln2_g": jnp.ones((K, NB, D), jnp.float32),
        "ln2_b": jnp.zeros((K, NB, D), jnp.float32),
        "W1": p(ks[6], (K, NB, D, H)),
        "b1": jnp.zeros((K, NB, H), jnp.float32),
        "W2": p(ks[7], (K, NB, H, D)),
        "b2": jnp.zeros((K, NB, D), jnp.float32),
        "lnf_g": jnp.ones((K, D), jnp.float32),
        "lnf_b": jnp.zeros((K, D), jnp.float32),
        "Wcls": p(ks[8], (K, D, C)),
        "bcls": jnp.zeros((K, C), jnp.float32),
        "Wconf": p(ks[9], (K, D, 1)),
        "bconf": jnp.zeros((K, 1), jnp.float32),
    }
    x_in = jax.random.randint(ks[10], (N, S), 0, V)
    return {"x_in": x_in, "params": params}


def _decoder(p, k, x):
    # token embedding gather + learned positional embedding
    h = jnp.take(p["emb"][k], x, axis=0) + p["pos"][k][None, :, :]
    mask = jnp.tril(jnp.ones((S, S), dtype=bool))
    for b in range(NB):
        a = _ln(h, p["ln1_g"][k, b], p["ln1_b"][k, b])
        q = (a @ p["Wq"][k, b]).reshape(N, S, NH, DH).transpose(0, 2, 1, 3)
        kk = (a @ p["Wk"][k, b]).reshape(N, S, NH, DH).transpose(0, 2, 1, 3)
        v = (a @ p["Wv"][k, b]).reshape(N, S, NH, DH).transpose(0, 2, 1, 3)
        scores = (q @ kk.transpose(0, 1, 3, 2)) / jnp.sqrt(float(DH))
        scores = jnp.where(mask[None, None, :, :], scores, -1e9)
        attn = jax.nn.softmax(scores, axis=-1)
        o = (attn @ v).transpose(0, 2, 1, 3).reshape(N, S, D) @ p["Wo"][k, b]
        h = h + o
        a2 = _ln(h, p["ln2_g"][k, b], p["ln2_b"][k, b])
        f = jax.nn.gelu(a2 @ p["W1"][k, b] + p["b1"][k, b]) @ p["W2"][k, b] + p["b2"][k, b]
        h = h + f
    hf = _ln(h, p["lnf_g"][k], p["lnf_b"][k])
    cls = hf @ p["Wcls"][k] + p["bcls"][k]
    conf = hf @ p["Wconf"][k] + p["bconf"][k]
    return cls, conf


def reference(x_in, params):
    all_cls = []
    all_conf = []
    for k in range(K):
        c, f = _decoder(params, k, x_in)
        all_cls.append(c)
        all_conf.append(f)
    combined_classifier = jnp.stack(all_cls, axis=1)            # [N, K, S, C]
    combined_confidence = jnp.stack(all_conf, axis=1).squeeze(-1)  # [N, K, S]
    # inference routing path (y_target is None): argmax over model confidence
    activated_models_indices = jnp.argmax(combined_confidence, axis=1)  # [N, S]
    m = jax.nn.one_hot(activated_models_indices, K, dtype=combined_classifier.dtype)  # [N, S, K]
    m = jnp.transpose(m, (0, 2, 1))[..., None]  # [N, K, S, 1]
    out_combined_classifier = jnp.sum(combined_classifier * m, axis=1)  # [N, S, C]
    return out_combined_classifier, combined_confidence, activated_models_indices

if __name__ == "__main__":
    import jax
    _d = setup_inputs()
    print(jax.jit(kernel)(*tuple(_d.values())))

</pallas_src>

<mosaic_0001>
#map = affine_map<(d0, d1) -> (0, 0)>
#map1 = affine_map<(d0, d1) -> (0)>
module attributes {stable_mosaic.version = 14 : i64} {
  func.func @gk(%arg0: i32, %arg1: i32, %arg2: memref<65536x768xf32, #tpu.memory_space<hbm>>, %arg3: memref<1024xi32, #tpu.memory_space<hbm>>, %arg4: memref<8192x768xf32, #tpu.memory_space<hbm>>, %arg5: memref<128xi32, #tpu.memory_space<vmem>>, %arg6: memref<128x768xf32, #tpu.memory_space<vmem>>, %arg7: memref<!tpu.dma_semaphore, #tpu.memory_space<semaphore_mem>>) attributes {dimension_semantics = [#tpu.dimension_semantics<core_parallel>, #tpu.dimension_semantics<subcore_parallel>], iteration_bounds = array<i64: 2, 16>, scalar_prefetch = 0 : i64, scratch_operands = 3 : i64, tpu.core_type = #tpu.core_type<sc_vector_subcore>, window_params = [{transform_indices = #map}, {transform_indices = #map1}, {transform_indices = #map}]} {
    %mul3A = arith.constant 2 : i32
    %mul3A_0 = arith.muli %arg1, %mul3A : i32
    %add3A = arith.addi %mul3A_0, %arg0 : i32
    %mul3A_1 = arith.constant 256 : i32
    %mul3A_2 = arith.muli %add3A, %mul3A_1 : i32
    %jit3A = arith.constant 1024 : i32
    %div3A = arith.divsi %mul3A_2, %jit3A : i32
    %sign3A = arith.constant 0 : i32
    %sign3A_3 = arith.cmpi sgt, %mul3A_2, %sign3A : i32
    %sign3A_4 = arith.extui %sign3A_3 : i1 to i32
    %sign3A_5 = arith.constant 0 : i32
    %sign3A_6 = arith.cmpi slt, %mul3A_2, %sign3A_5 : i32
    %sign3A_7 = arith.extui %sign3A_6 : i1 to i32
    %sign3A_8 = arith.subi %sign3A_4, %sign3A_7 : i32
    %sign3A_9 = arith.constant 0 : i32
    %sign3A_10 = arith.cmpi sgt, %jit3A, %sign3A_9 : i32
    %sign3A_11 = arith.extui %sign3A_10 : i1 to i32
    %sign3A_12 = arith.constant 0 : i32
    %sign3A_13 = arith.cmpi slt, %jit3A, %sign3A_12 : i32
    %sign3A_14 = arith.extui %sign3A_13 : i1 to i32
    %sign3A_15 = arith.subi %sign3A_11, %sign3A_14 : i32
    %ne3A = arith.cmpi ne, %sign3A_8, %sign3A_15 : i32
    %rem3A = arith.remsi %mul3A_2, %jit3A : i32
    %ne3A_16 = arith.constant 0 : i32
    %ne3A_17 = arith.cmpi ne, %rem3A, %ne3A_16 : i32
    %and3A = arith.andi %ne3A, %ne3A_17 : i1
    %sub3A = arith.constant 1 : i32
    %sub3A_18 = arith.subi %div3A, %sub3A : i32
    %select_n3A = arith.select %and3A, %sub3A_18, %div3A : i32
    %mul3A_19 = arith.constant 8192 : i32
    %mul3A_20 = arith.muli %select_n3A, %mul3A_19 : i32
    %mul3A_21 = arith.constant 1024 : i32
    %mul3A_22 = arith.muli %select_n3A, %mul3A_21 : i32
    %sub3A_23 = arith.subi %mul3A_2, %mul3A_22 : i32
    %add3A_24 = arith.constant 0 : i32
    %add3A_25 = arith.addi %mul3A_2, %add3A_24 : i32
    %multiple_of3A = tpu.assume_multiple %add3A_25, 8 : i32
    %add3A_26 = arith.constant 0 : i32
    %add3A_27 = arith.addi %sub3A_23, %add3A_26 : i32
    %multiple_of3A_28 = tpu.assume_multiple %add3A_27, 8 : i32
    "tpu.region"() ({
      %run_scoped3A = tpu.sem_alloc : memref<!tpu.dma_semaphore, #tpu.memory_space<semaphore_mem>>
      %dma_start3A_186 = tpu.memref_slice %arg3[%multiple_of3A_28] : memref<1024xi32, #tpu.memory_space<hbm>> -> memref<128xi32, #tpu.memory_space<hbm>>
      %dma_start3A_187 = tpu.memref_slice %arg3[%multiple_of3A_28] : memref<1024xi32, #tpu.memory_space<hbm>> -> memref<128xi32, #tpu.memory_space<hbm>>
      tpu.enqueue_dma source(%dma_start3A_187 : memref<128xi32, #tpu.memory_space<hbm>>) target(%arg5 : memref<128xi32, #tpu.memory_space<vmem>>) target_semaphore(%run_scoped3A : memref<!tpu.dma_semaphore, #tpu.memory_space<semaphore_mem>>)
      %dma_wait3A_188 = tpu.memref_slice %arg3[%multiple_of3A_28] : memref<1024xi32, #tpu.memory_space<hbm>> -> memref<128xi32, #tpu.memory_space<hbm>>
      %dma_wait3A_189 = tpu.memref_slice %arg3[%multiple_of3A_28] : memref<1024xi32, #tpu.memory_space<hbm>> -> memref<128xi32, #tpu.memory_space<hbm>>
      tpu.wait_dma2 semaphore(%run_scoped3A : memref<!tpu.dma_semaphore, #tpu.memory_space<semaphore_mem>>) src(%dma_wait3A_189 : memref<128xi32, #tpu.memory_space<hbm>>) dst(%arg5 : memref<128xi32, #tpu.memory_space<vmem>>)
      tpu.yield
    }) : () -> ()
    %get3A = arith.constant 0 : index
    %get3A_29 = tpu.vector_load %arg5[%get3A] {strides = array<i32>} : memref<128xi32, #tpu.memory_space<vmem>>, vector<16xi32>,
    %get3A_30 = vector.shape_cast %get3A_29 : vector<16xi32> to vector<16xi32>
    %broadcast_in_dim3A = vector.broadcast %mul3A_20 : i32 to vector<16xi32>
    %add3A_31 = arith.addi %get3A_30, %broadcast_in_dim3A : vector<16xi32>
    %swap3A = arith.constant 0 : index
    %swap3A_32 = tpu.vector_load %arg5[%swap3A] {strides = array<i32>} : memref<128xi32, #tpu.memory_space<vmem>>, vector<16xi32>,
    %swap3A_33 = vector.shape_cast %swap3A_32 : vector<16xi32> to vector<16xi32>
    %swap3A_34 = vector.shape_cast %add3A_31 : vector<16xi32> to vector<16xi32>
    tpu.vector_store %arg5[%swap3A], %swap3A_34 {strides = array<i32>} : memref<128xi32, #tpu.memory_space<vmem>>, vector<16xi32>,
    %get3A_35 = arith.constant 16 : index
    %get3A_36 = tpu.vector_load %arg5[%get3A_35] {strides = array<i32>} : memref<128xi32, #tpu.memory_space<vmem>>, vector<16xi32>,
    %get3A_37 = vector.shape_cast %get3A_36 : vector<16xi32> to vector<16xi32>
    %broadcast_in_dim3A_38 = vector.broadcast %mul3A_20 : i32 to vector<16xi32>
    %add3A_39 = arith.addi %get3A_37, %broadcast_in_dim3A_38 : vector<16xi32>
    %swap3A_40 = arith.constant 16 : index
    %swap3A_41 = tpu.vector_load %arg5[%swap3A_40] {strides = array<i32>} : memref<128xi32, #tpu.memory_space<vmem>>, vector<16xi32>,
    %swap3A_42 = vector.shape_cast %swap3A_41 : vector<16xi32> to vector<16xi32>
    %swap3A_43 = vector.shape_cast %add3A_39 : vector<16xi32> to vector<16xi32>
    tpu.vector_store %arg5[%swap3A_40], %swap3A_43 {strides = array<i32>} : memref<128xi32, #tpu.memory_space<vmem>>, vector<16xi32>,
    %get3A_44 = arith.constant 32 : index
    %get3A_45 = tpu.vector_load %arg5[%get3A_44] {strides = array<i32>} : memref<128xi32, #tpu.memory_space<vmem>>, vector<16xi32>,
    %get3A_46 = vector.shape_cast %get3A_45 : vector<16xi32> to vector<16xi32>
    %broadcast_in_dim3A_47 = vector.broadcast %mul3A_20 : i32 to vector<16xi32>
    %add3A_48 = arith.addi %get3A_46, %broadcast_in_dim3A_47 : vector<16xi32>
    %swap3A_49 = arith.constant 32 : index
    %swap3A_50 = tpu.vector_load %arg5[%swap3A_49] {strides = array<i32>} : memref<128xi32, #tpu.memory_space<vmem>>, vector<16xi32>,
    %swap3A_51 = vector.shape_cast %swap3A_50 : vector<16xi32> to vector<16xi32>
    %swap3A_52 = vector.shape_cast %add3A_48 : vector<16xi32> to vector<16xi32>
    tpu.vector_store %arg5[%swap3A_49], %swap3A_52 {strides = array<i32>} : memref<128xi32, #tpu.memory_space<vmem>>, vector<16xi32>,
    %get3A_53 = arith.constant 48 : index
    %get3A_54 = tpu.vector_load %arg5[%get3A_53] {strides = array<i32>} : memref<128xi32, #tpu.memory_space<vmem>>, vector<16xi32>,
    %get3A_55 = vector.shape_cast %get3A_54 : vector<16xi32> to vector<16xi32>
    %broadcast_in_dim3A_56 = vector.broadcast %mul3A_20 : i32 to vector<16xi32>
    %add3A_57 = arith.addi %get3A_55, %broadcast_in_dim3A_56 : vector<16xi32>
    %swap3A_58 = arith.constant 48 : index
    %swap3A_59 = tpu.vector_load %arg5[%swap3A_58] {strides = array<i32>} : memref<128xi32, #tpu.memory_space<vmem>>, vector<16xi32>,
    %swap3A_60 = vector.shape_cast %swap3A_59 : vector<16xi32> to vector<16xi32>
    %swap3A_61 = vector.shape_cast %add3A_57 : vector<16xi32> to vector<16xi32>
    tpu.vector_store %arg5[%swap3A_58], %swap3A_61 {strides = array<i32>} : memref<128xi32, #tpu.memory_space<vmem>>, vector<16xi32>,
    %get3A_62 = arith.constant 64 : index
    %get3A_63 = tpu.vector_load %arg5[%get3A_62] {strides = array<i32>} : memref<128xi32, #tpu.memory_space<vmem>>, vector<16xi32>,
    %get3A_64 = vector.shape_cast %get3A_63 : vector<16xi32> to vector<16xi32>
    %broadcast_in_dim3A_65 = vector.broadcast %mul3A_20 : i32 to vector<16xi32>
    %add3A_66 = arith.addi %get3A_64, %broadcast_in_dim3A_65 : vector<16xi32>
    %swap3A_67 = arith.constant 64 : index
    %swap3A_68 = tpu.vector_load %arg5[%swap3A_67] {strides = array<i32>} : memref<128xi32, #tpu.memory_space<vmem>>, vector<16xi32>,
    %swap3A_69 = vector.shape_cast %swap3A_68 : vector<16xi32> to vector<16xi32>
    %swap3A_70 = vector.shape_cast %add3A_66 : vector<16xi32> to vector<16xi32>
    tpu.vector_store %arg5[%swap3A_67], %swap3A_70 {strides = array<i32>} : memref<128xi32, #tpu.memory_space<vmem>>, vector<16xi32>,
    %get3A_71 = arith.constant 80 : index
    %get3A_72 = tpu.vector_load %arg5[%get3A_71] {strides = array<i32>} : memref<128xi32, #tpu.memory_space<vmem>>, vector<16xi32>,
    %get3A_73 = vector.shape_cast %get3A_72 : vector<16xi32> to vector<16xi32>
    %broadcast_in_dim3A_74 = vector.broadcast %mul3A_20 : i32 to vector<16xi32>
    %add3A_75 = arith.addi %get3A_73, %broadcast_in_dim3A_74 : vector<16xi32>
    %swap3A_76 = arith.constant 80 : index
    %swap3A_77 = tpu.vector_load %arg5[%swap3A_76] {strides = array<i32>} : memref<128xi32, #tpu.memory_space<vmem>>, vector<16xi32>,
    %swap3A_78 = vector.shape_cast %swap3A_77 : vector<16xi32> to vector<16xi32>
    %swap3A_79 = vector.shape_cast %add3A_75 : vector<16xi32> to vector<16xi32>
    tpu.vector_store %arg5[%swap3A_76], %swap3A_79 {strides = array<i32>} : memref<128xi32, #tpu.memory_space<vmem>>, vector<16xi32>,
    %get3A_80 = arith.constant 96 : index
    %get3A_81 = tpu.vector_load %arg5[%get3A_80] {strides = array<i32>} : memref<128xi32, #tpu.memory_space<vmem>>, vector<16xi32>,
    %get3A_82 = vector.shape_cast %get3A_81 : vector<16xi32> to vector<16xi32>
    %broadcast_in_dim3A_83 = vector.broadcast %mul3A_20 : i32 to vector<16xi32>
    %add3A_84 = arith.addi %get3A_82, %broadcast_in_dim3A_83 : vector<16xi32>
    %swap3A_85 = arith.constant 96 : index
    %swap3A_86 = tpu.vector_load %arg5[%swap3A_85] {strides = array<i32>} : memref<128xi32, #tpu.memory_space<vmem>>, vector<16xi32>,
    %swap3A_87 = vector.shape_cast %swap3A_86 : vector<16xi32> to vector<16xi32>
    %swap3A_88 = vector.shape_cast %add3A_84 : vector<16xi32> to vector<16xi32>
    tpu.vector_store %arg5[%swap3A_85], %swap3A_88 {strides = array<i32>} : memref<128xi32, #tpu.memory_space<vmem>>, vector<16xi32>,
    %get3A_89 = arith.constant 112 : index
    %get3A_90 = tpu.vector_load %arg5[%get3A_89] {strides = array<i32>} : memref<128xi32, #tpu.memory_space<vmem>>, vector<16xi32>,
    %get3A_91 = vector.shape_cast %get3A_90 : vector<16xi32> to vector<16xi32>
    %broadcast_in_dim3A_92 = vector.broadcast %mul3A_20 : i32 to vector<16xi32>
    %add3A_93 = arith.addi %get3A_91, %broadcast_in_dim3A_92 : vector<16xi32>
    %swap3A_94 = arith.constant 112 : index
    %swap3A_95 = tpu.vector_load %arg5[%swap3A_94] {strides = array<i32>} : memref<128xi32, #tpu.memory_space<vmem>>, vector<16xi32>,
    %swap3A_96 = vector.shape_cast %swap3A_95 : vector<16xi32> to vector<16xi32>
    %swap3A_97 = vector.shape_cast %add3A_93 : vector<16xi32> to vector<16xi32>
    tpu.vector_store %arg5[%swap3A_94], %swap3A_97 {strides = array<i32>} : memref<128xi32, #tpu.memory_space<vmem>>, vector<16xi32>,
    %dma_start3A = arith.constant 0 : i32
    %dma_start3A_98 = arith.constant 0 : i32
    %dma_start3A_99 = tpu.memref_slice %arg2[%dma_start3A, %dma_start3A_98] : memref<65536x768xf32, #tpu.memory_space<hbm>> -> memref<65536x768xf32, #tpu.memory_space<hbm>>
    tpu.enqueue_indirect_dma source(%dma_start3A_99 : memref<65536x768xf32, #tpu.memory_space<hbm>>) target(%arg6 : memref<128x768xf32, #tpu.memory_space<vmem>>) offsets(%arg5 : memref<128xi32, #tpu.memory_space<vmem>>) semaphore(%arg7 : memref<!tpu.dma_semaphore, #tpu.memory_space<semaphore_mem>>)
    %dma_wait3A = arith.constant 0 : i32
    %dma_wait3A_100 = arith.constant 0 : i32
    %dma_wait3A_101 = tpu.memref_slice %arg2[%dma_wait3A, %dma_wait3A_100] : memref<65536x768xf32, #tpu.memory_space<hbm>> -> memref<65536x768xf32, #tpu.memory_space<hbm>>
    tpu.wait_indirect_dma semaphore(%arg7 : memref<!tpu.dma_semaphore, #tpu.memory_space<semaphore_mem>>) src(%dma_wait3A_101 : memref<65536x768xf32, #tpu.memory_space<hbm>>) dst(%arg6 : memref<128x768xf32, #tpu.memory_space<vmem>>)
    "tpu.region"() ({
      %run_scoped3A = tpu.sem_alloc : memref<!tpu.dma_semaphore, #tpu.memory_space<semaphore_mem>>
      %dma_start3A_186 = arith.constant 0 : i32
      %dma_start3A_187 = tpu.memref_slice %arg4[%multiple_of3A, %dma_start3A_186] : memref<8192x768xf32, #tpu.memory_space<hbm>> -> memref<128x768xf32, #tpu.memory_space<hbm>>
      %dma_start3A_188 = arith.constant 0 : i32
      %dma_start3A_189 = tpu.memref_slice %arg4[%multiple_of3A, %dma_start3A_188] : memref<8192x768xf32, #tpu.memory_space<hbm>> -> memref<128x768xf32, #tpu.memory_space<hbm>>
      tpu.enqueue_dma source(%arg6 : memref<128x768xf32, #tpu.memory_space<vmem>>) target(%dma_start3A_189 : memref<128x768xf32, #tpu.memory_space<hbm>>) target_semaphore(%run_scoped3A : memref<!tpu.dma_semaphore, #tpu.memory_space<semaphore_mem>>)
      %dma_wait3A_190 = arith.constant 0 : i32
      %dma_wait3A_191 = tpu.memref_slice %arg4[%multiple_of3A, %dma_wait3A_190] : memref<8192x768xf32, #tpu.memory_space<hbm>> -> memref<128x768xf32, #tpu.memory_space<hbm>>
      %dma_wait3A_192 = arith.constant 0 : i32
      %dma_wait3A_193 = tpu.memref_slice %arg4[%multiple_of3A, %dma_wait3A_192] : memref<8192x768xf32, #tpu.memory_space<hbm>> -> memref<128x768xf32, #tpu.memory_space<hbm>>
      tpu.wait_dma2 semaphore(%run_scoped3A : memref<!tpu.dma_semaphore, #tpu.memory_space<semaphore_mem>>) src(%arg6 : memref<128x768xf32, #tpu.memory_space<vmem>>) dst(%dma_wait3A_193 : memref<128x768xf32, #tpu.memory_space<hbm>>)
      tpu.yield
    }) : () -> ()
    %add3A_102 = arith.constant 128 : i32
    %add3A_103 = arith.addi %mul3A_2, %add3A_102 : i32
    %multiple_of3A_104 = tpu.assume_multiple %add3A_103, 8 : i32
    %add3A_105 = arith.constant 128 : i32
    %add3A_106 = arith.addi %sub3A_23, %add3A_105 : i32
    %multiple_of3A_107 = tpu.assume_multiple %add3A_106, 8 : i32
    "tpu.region"() ({
      %run_scoped3A = tpu.sem_alloc : memref<!tpu.dma_semaphore, #tpu.memory_space<semaphore_mem>>
      %dma_start3A_186 = tpu.memref_slice %arg3[%multiple_of3A_107] : memref<1024xi32, #tpu.memory_space<hbm>> -> memref<128xi32, #tpu.memory_space<hbm>>
      %dma_start3A_187 = tpu.memref_slice %arg3[%multiple_of3A_107] : memref<1024xi32, #tpu.memory_space<hbm>> -> memref<128xi32, #tpu.memory_space<hbm>>
      tpu.enqueue_dma source(%dma_start3A_187 : memref<128xi32, #tpu.memory_space<hbm>>) target(%arg5 : memref<128xi32, #tpu.memory_space<vmem>>) target_semaphore(%run_scoped3A : memref<!tpu.dma_semaphore, #tpu.memory_space<semaphore_mem>>)
      %dma_wait3A_188 = tpu.memref_slice %arg3[%multiple_of3A_107] : memref<1024xi32, #tpu.memory_space<hbm>> -> memref<128xi32, #tpu.memory_space<hbm>>
      %dma_wait3A_189 = tpu.memref_slice %arg3[%multiple_of3A_107] : memref<1024xi32, #tpu.memory_space<hbm>> -> memref<128xi32, #tpu.memory_space<hbm>>
      tpu.wait_dma2 semaphore(%run_scoped3A : memref<!tpu.dma_semaphore, #tpu.memory_space<semaphore_mem>>) src(%dma_wait3A_189 : memref<128xi32, #tpu.memory_space<hbm>>) dst(%arg5 : memref<128xi32, #tpu.memory_space<vmem>>)
      tpu.yield
    }) : () -> ()
    %get3A_108 = arith.constant 0 : index
    %get3A_109 = tpu.vector_load %arg5[%get3A_108] {strides = array<i32>} : memref<128xi32, #tpu.memory_space<vmem>>, vector<16xi32>,
    %get3A_110 = vector.shape_cast %get3A_109 : vector<16xi32> to vector<16xi32>
    %broadcast_in_dim3A_111 = vector.broadcast %mul3A_20 : i32 to vector<16xi32>
    %add3A_112 = arith.addi %get3A_110, %broadcast_in_dim3A_111 : vector<16xi32>
    %swap3A_113 = arith.constant 0 : index
    %swap3A_114 = tpu.vector_load %arg5[%swap3A_113] {strides = array<i32>} : memref<128xi32, #tpu.memory_space<vmem>>, vector<16xi32>,
    %swap3A_115 = vector.shape_cast %swap3A_114 : vector<16xi32> to vector<16xi32>
    %swap3A_116 = vector.shape_cast %add3A_112 : vector<16xi32> to vector<16xi32>
    tpu.vector_store %arg5[%swap3A_113], %swap3A_116 {strides = array<i32>} : memref<128xi32, #tpu.memory_space<vmem>>, vector<16xi32>,
    %get3A_117 = arith.constant 16 : index
    %get3A_118 = tpu.vector_load %arg5[%get3A_117] {strides = array<i32>} : memref<128xi32, #tpu.memory_space<vmem>>, vector<16xi32>,
    %get3A_119 = vector.shape_cast %get3A_118 : vector<16xi32> to vector<16xi32>
    %broadcast_in_dim3A_120 = vector.broadcast %mul3A_20 : i32 to vector<16xi32>
    %add3A_121 = arith.addi %get3A_119, %broadcast_in_dim3A_120 : vector<16xi32>
    %swap3A_122 = arith.constant 16 : index
    %swap3A_123 = tpu.vector_load %arg5[%swap3A_122] {strides = array<i32>} : memref<128xi32, #tpu.memory_space<vmem>>, vector<16xi32>,
    %swap3A_124 = vector.shape_cast %swap3A_123 : vector<16xi32> to vector<16xi32>
    %swap3A_125 = vector.shape_cast %add3A_121 : vector<16xi32> to vector<16xi32>
    tpu.vector_store %arg5[%swap3A_122], %swap3A_125 {strides = array<i32>} : memref<128xi32, #tpu.memory_space<vmem>>, vector<16xi32>,
    %get3A_126 = arith.constant 32 : index
    %get3A_127 = tpu.vector_load %arg5[%get3A_126] {strides = array<i32>} : memref<128xi32, #tpu.memory_space<vmem>>, vector<16xi32>,
    %get3A_128 = vector.shape_cast %get3A_127 : vector<16xi32> to vector<16xi32>
    %broadcast_in_dim3A_129 = vector.broadcast %mul3A_20 : i32 to vector<16xi32>
    %add3A_130 = arith.addi %get3A_128, %broadcast_in_dim3A_129 : vector<16xi32>
    %swap3A_131 = arith.constant 32 : index
    %swap3A_132 = tpu.vector_load %arg5[%swap3A_131] {strides = array<i32>} : memref<128xi32, #tpu.memory_space<vmem>>, vector<16xi32>,
    %swap3A_133 = vector.shape_cast %swap3A_132 : vector<16xi32> to vector<16xi32>
    %swap3A_134 = vector.shape_cast %add3A_130 : vector<16xi32> to vector<16xi32>
    tpu.vector_store %arg5[%swap3A_131], %swap3A_134 {strides = array<i32>} : memref<128xi32, #tpu.memory_space<vmem>>, vector<16xi32>,
    %get3A_135 = arith.constant 48 : index
    %get3A_136 = tpu.vector_load %arg5[%get3A_135] {strides = array<i32>} : memref<128xi32, #tpu.memory_space<vmem>>, vector<16xi32>,
    %get3A_137 = vector.shape_cast %get3A_136 : vector<16xi32> to vector<16xi32>
    %broadcast_in_dim3A_138 = vector.broadcast %mul3A_20 : i32 to vector<16xi32>
    %add3A_139 = arith.addi %get3A_137, %broadcast_in_dim3A_138 : vector<16xi32>
    %swap3A_140 = arith.constant 48 : index
    %swap3A_141 = tpu.vector_load %arg5[%swap3A_140] {strides = array<i32>} : memref<128xi32, #tpu.memory_space<vmem>>, vector<16xi32>,
    %swap3A_142 = vector.shape_cast %swap3A_141 : vector<16xi32> to vector<16xi32>
    %swap3A_143 = vector.shape_cast %add3A_139 : vector<16xi32> to vector<16xi32>
    tpu.vector_store %arg5[%swap3A_140], %swap3A_143 {strides = array<i32>} : memref<128xi32, #tpu.memory_space<vmem>>, vector<16xi32>,
    %get3A_144 = arith.constant 64 : index
    %get3A_145 = tpu.vector_load %arg5[%get3A_144] {strides = array<i32>} : memref<128xi32, #tpu.memory_space<vmem>>, vector<16xi32>,
    %get3A_146 = vector.shape_cast %get3A_145 : vector<16xi32> to vector<16xi32>
    %broadcast_in_dim3A_147 = vector.broadcast %mul3A_20 : i32 to vector<16xi32>
    %add3A_148 = arith.addi %get3A_146, %broadcast_in_dim3A_147 : vector<16xi32>
    %swap3A_149 = arith.constant 64 : index
    %swap3A_150 = tpu.vector_load %arg5[%swap3A_149] {strides = array<i32>} : memref<128xi32, #tpu.memory_space<vmem>>, vector<16xi32>,
    %swap3A_151 = vector.shape_cast %swap3A_150 : vector<16xi32> to vector<16xi32>
    %swap3A_152 = vector.shape_cast %add3A_148 : vector<16xi32> to vector<16xi32>
    tpu.vector_store %arg5[%swap3A_149], %swap3A_152 {strides = array<i32>} : memref<128xi32, #tpu.memory_space<vmem>>, vector<16xi32>,
    %get3A_153 = arith.constant 80 : index
    %get3A_154 = tpu.vector_load %arg5[%get3A_153] {strides = array<i32>} : memref<128xi32, #tpu.memory_space<vmem>>, vector<16xi32>,
    %get3A_155 = vector.shape_cast %get3A_154 : vector<16xi32> to vector<16xi32>
    %broadcast_in_dim3A_156 = vector.broadcast %mul3A_20 : i32 to vector<16xi32>
    %add3A_157 = arith.addi %get3A_155, %broadcast_in_dim3A_156 : vector<16xi32>
    %swap3A_158 = arith.constant 80 : index
    %swap3A_159 = tpu.vector_load %arg5[%swap3A_158] {strides = array<i32>} : memref<128xi32, #tpu.memory_space<vmem>>, vector<16xi32>,
    %swap3A_160 = vector.shape_cast %swap3A_159 : vector<16xi32> to vector<16xi32>
    %swap3A_161 = vector.shape_cast %add3A_157 : vector<16xi32> to vector<16xi32>
    tpu.vector_store %arg5[%swap3A_158], %swap3A_161 {strides = array<i32>} : memref<128xi32, #tpu.memory_space<vmem>>, vector<16xi32>,
    %get3A_162 = arith.constant 96 : index
    %get3A_163 = tpu.vector_load %arg5[%get3A_162] {strides = array<i32>} : memref<128xi32, #tpu.memory_space<vmem>>, vector<16xi32>,
    %get3A_164 = vector.shape_cast %get3A_163 : vector<16xi32> to vector<16xi32>
    %broadcast_in_dim3A_165 = vector.broadcast %mul3A_20 : i32 to vector<16xi32>
    %add3A_166 = arith.addi %get3A_164, %broadcast_in_dim3A_165 : vector<16xi32>
    %swap3A_167 = arith.constant 96 : index
    %swap3A_168 = tpu.vector_load %arg5[%swap3A_167] {strides = array<i32>} : memref<128xi32, #tpu.memory_space<vmem>>, vector<16xi32>,
    %swap3A_169 = vector.shape_cast %swap3A_168 : vector<16xi32> to vector<16xi32>
    %swap3A_170 = vector.shape_cast %add3A_166 : vector<16xi32> to vector<16xi32>
    tpu.vector_store %arg5[%swap3A_167], %swap3A_170 {strides = array<i32>} : memref<128xi32, #tpu.memory_space<vmem>>, vector<16xi32>,
    %get3A_171 = arith.constant 112 : index
    %get3A_172 = tpu.vector_load %arg5[%get3A_171] {strides = array<i32>} : memref<128xi32, #tpu.memory_space<vmem>>, vector<16xi32>,
    %get3A_173 = vector.shape_cast %get3A_172 : vector<16xi32> to vector<16xi32>
    %broadcast_in_dim3A_174 = vector.broadcast %mul3A_20 : i32 to vector<16xi32>
    %add3A_175 = arith.addi %get3A_173, %broadcast_in_dim3A_174 : vector<16xi32>
    %swap3A_176 = arith.constant 112 : index
    %swap3A_177 = tpu.vector_load %arg5[%swap3A_176] {strides = array<i32>} : memref<128xi32, #tpu.memory_space<vmem>>, vector<16xi32>,
    %swap3A_178 = vector.shape_cast %swap3A_177 : vector<16xi32> to vector<16xi32>
    %swap3A_179 = vector.shape_cast %add3A_175 : vector<16xi32> to vector<16xi32>
    tpu.vector_store %arg5[%swap3A_176], %swap3A_179 {strides = array<i32>} : memref<128xi32, #tpu.memory_space<vmem>>, vector<16xi32>,
    %dma_start3A_180 = arith.constant 0 : i32
    %dma_start3A_181 = arith.constant 0 : i32
    %dma_start3A_182 = tpu.memref_slice %arg2[%dma_start3A_180, %dma_start3A_181] : memref<65536x768xf32, #tpu.memory_space<hbm>> -> memref<65536x768xf32, #tpu.memory_space<hbm>>
    tpu.enqueue_indirect_dma source(%dma_start3A_182 : memref<65536x768xf32, #tpu.memory_space<hbm>>) target(%arg6 : memref<128x768xf32, #tpu.memory_space<vmem>>) offsets(%arg5 : memref<128xi32, #tpu.memory_space<vmem>>) semaphore(%arg7 : memref<!tpu.dma_semaphore, #tpu.memory_space<semaphore_mem>>)
    %dma_wait3A_183 = arith.constant 0 : i32
    %dma_wait3A_184 = arith.constant 0 : i32
    %dma_wait3A_185 = tpu.memref_slice %arg2[%dma_wait3A_183, %dma_wait3A_184] : memref<65536x768xf32, #tpu.memory_space<hbm>> -> memref<65536x768xf32, #tpu.memory_space<hbm>>
    tpu.wait_indirect_dma semaphore(%arg7 : memref<!tpu.dma_semaphore, #tpu.memory_space<semaphore_mem>>) src(%dma_wait3A_185 : memref<65536x768xf32, #tpu.memory_space<hbm>>) dst(%arg6 : memref<128x768xf32, #tpu.memory_space<vmem>>)
    "tpu.region"() ({
      %run_scoped3A = tpu.sem_alloc : memref<!tpu.dma_semaphore, #tpu.memory_space<semaphore_mem>>
      %dma_start3A_186 = arith.constant 0 : i32
      %dma_start3A_187 = tpu.memref_slice %arg4[%multiple_of3A_104, %dma_start3A_186] : memref<8192x768xf32, #tpu.memory_space<hbm>> -> memref<128x768xf32, #tpu.memory_space<hbm>>
      %dma_start3A_188 = arith.constant 0 : i32
      %dma_start3A_189 = tpu.memref_slice %arg4[%multiple_of3A_104, %dma_start3A_188] : memref<8192x768xf32, #tpu.memory_space<hbm>> -> memref<128x768xf32, #tpu.memory_space<hbm>>
      tpu.enqueue_dma source(%arg6 : memref<128x768xf32, #tpu.memory_space<vmem>>) target(%dma_start3A_189 : memref<128x768xf32, #tpu.memory_space<hbm>>) target_semaphore(%run_scoped3A : memref<!tpu.dma_semaphore, #tpu.memory_space<semaphore_mem>>)
      %dma_wait3A_190 = arith.constant 0 : i32
      %dma_wait3A_191 = tpu.memref_slice %arg4[%multiple_of3A_104, %dma_wait3A_190] : memref<8192x768xf32, #tpu.memory_space<hbm>> -> memref<128x768xf32, #tpu.memory_space<hbm>>
      %dma_wait3A_192 = arith.constant 0 : i32
      %dma_wait3A_193 = tpu.memref_slice %arg4[%multiple_of3A_104, %dma_wait3A_192] : memref<8192x768xf32, #tpu.memory_space<hbm>> -> memref<128x768xf32, #tpu.memory_space<hbm>>
      tpu.wait_dma2 semaphore(%run_scoped3A : memref<!tpu.dma_semaphore, #tpu.memory_space<semaphore_mem>>) src(%arg6 : memref<128x768xf32, #tpu.memory_space<vmem>>) dst(%dma_wait3A_193 : memref<128x768xf32, #tpu.memory_space<hbm>>)
      tpu.yield
    }) : () -> ()
    return
  }
}

module attributes {stable_mosaic.version = 14 : i64} {
  func.func @body(%arg0: i32, %arg1: memref<1x1024x768xf32, #tpu.memory_space<vmem>>, %arg2: memref<1x1024x768xf32, #tpu.memory_space<vmem>>, %arg3: memref<1x1024x768xf32, #tpu.memory_space<vmem>>) attributes {dimension_semantics = [#tpu.dimension_semantics<arbitrary>], iteration_bounds = array<i64: 8>, scalar_prefetch = 0 : i64, scratch_operands = 0 : i64, tpu.core_type = #tpu.core_type<tc>, window_params = [{transform_indices = @transform_0, window_bounds = array<i64: 1, 1024, 768>}, {transform_indices = @transform_1, window_bounds = array<i64: 1, 1024, 768>}, {transform_indices = @transform_2, window_bounds = array<i64: 1, 1024, 768>}]} {
    %get3A = arith.constant 0 : index
    %get3A_0 = arith.constant 0 : index
    %get3A_1 = arith.constant 0 : index
    %get3A_2 = vector.load %arg1[%get3A, %get3A_0, %get3A_1] : memref<1x1024x768xf32, #tpu.memory_space<vmem>>, vector<1x1024x768xf32>
    %get3A_3 = vector.shape_cast %get3A_2 : vector<1x1024x768xf32> to vector<1024x768xf32>
    %get3A_4 = arith.constant 0 : index
    %get3A_5 = arith.constant 0 : index
    %get3A_6 = arith.constant 0 : index
    %get3A_7 = vector.load %arg2[%get3A_4, %get3A_5, %get3A_6] : memref<1x1024x768xf32, #tpu.memory_space<vmem>>, vector<1x1024x768xf32>
    %get3A_8 = vector.shape_cast %get3A_7 : vector<1x1024x768xf32> to vector<1024x768xf32>
    %add3A = arith.addf %get3A_3, %get3A_8 : vector<1024x768xf32>
    %swap3A = arith.constant 0 : index
    %swap3A_9 = arith.constant 0 : index
    %swap3A_10 = arith.constant 0 : index
    %swap3A_11 = vector.load %arg3[%swap3A, %swap3A_9, %swap3A_10] : memref<1x1024x768xf32, #tpu.memory_space<vmem>>, vector<1x1024x768xf32>
    %swap3A_12 = vector.shape_cast %swap3A_11 : vector<1x1024x768xf32> to vector<1024x768xf32>
    %swap3A_13 = vector.shape_cast %add3A : vector<1024x768xf32> to vector<1x1024x768xf32>
    tpu.vector_store %arg3[%swap3A, %swap3A_9, %swap3A_10], %swap3A_13 {strides = array<i32>} : memref<1x1024x768xf32, #tpu.memory_space<vmem>>, vector<1x1024x768xf32>,
    return
  }
  func.func @transform_0(%arg0: i32) -> (i32, i32, i32) {
    %c0_i32 = arith.constant 0 : i32
    %c0_i32_0 = arith.constant 0 : i32
    %c0_i32_1 = arith.constant 0 : i32
    return %arg0, %c0_i32, %c0_i32_0 : i32, i32, i32
  }
  func.func @transform_1(%arg0: i32) -> (i32, i32, i32) {
    %c0_i32 = arith.constant 0 : i32
    %c0_i32_0 = arith.constant 0 : i32
    %c0_i32_1 = arith.constant 0 : i32
    return %arg0, %c0_i32, %c0_i32_0 : i32, i32, i32
  }
  func.func @transform_2(%arg0: i32) -> (i32, i32, i32) {
    %c0_i32 = arith.constant 0 : i32
    %c0_i32_0 = arith.constant 0 : i32
    %c0_i32_1 = arith.constant 0 : i32
    return %arg0, %c0_i32, %c0_i32_0 : i32, i32, i32
  }
}

module attributes {stable_mosaic.version = 14 : i64} {
  func.func @body(%arg0: i32, %arg1: i32, %arg2: memref<1x1024x768xf32, #tpu.memory_space<vmem>>, %arg3: memref<1x1x1x768x768xf32, #tpu.memory_space<vmem>>, %arg4: memref<1x1x1x768xf32, #tpu.memory_space<vmem>>, %arg5: memref<1x1x1x768xf32, #tpu.memory_space<vmem>>, %arg6: memref<1x1x1024x768xf32, #tpu.memory_space<vmem>>, %arg7: memref<1024x768xf32, #tpu.memory_space<vmem>>) attributes {dimension_semantics = [#tpu.dimension_semantics<arbitrary>, #tpu.dimension_semantics<arbitrary>], iteration_bounds = array<i64: 8, 3>, scalar_prefetch = 0 : i64, scratch_operands = 1 : i64, tpu.core_type = #tpu.core_type<tc>, window_params = [{transform_indices = @transform_0, window_bounds = array<i64: 1, 1024, 768>}, {transform_indices = @transform_1, window_bounds = array<i64: 1, 1, 1, 768, 768>}, {transform_indices = @transform_2, window_bounds = array<i64: 1, 1, 1, 768>}, {transform_indices = @transform_3, window_bounds = array<i64: 1, 1, 1, 768>}, {transform_indices = @transform_4, window_bounds = array<i64: 1, 1, 1024, 768>}]} {
    %eq3A = arith.constant 0 : i32
    %eq3A_0 = arith.cmpi eq, %arg1, %eq3A : i32
    %convert_element_type3A = arith.extui %eq3A_0 : i1 to i32
    %cond3A = arith.constant 0 : i32
    %cond3A_1 = arith.cmpi ne, %convert_element_type3A, %cond3A : i32
    scf.if %cond3A_1 {
      %get3A_20 = arith.constant 0 : index
      %get3A_21 = arith.constant 0 : index
      %get3A_22 = arith.constant 0 : index
      %get3A_23 = vector.load %arg2[%get3A_20, %get3A_21, %get3A_22] : memref<1x1024x768xf32, #tpu.memory_space<vmem>>, vector<1x1024x768xf32>
      %get3A_24 = vector.shape_cast %get3A_23 : vector<1x1024x768xf32> to vector<1024x768xf32>
      %get3A_25 = arith.constant 0 : index
      %get3A_26 = arith.constant 0 : index
      %get3A_27 = arith.constant 0 : index
      %get3A_28 = arith.constant 0 : index
      %get3A_29 = vector.load %arg4[%get3A_25, %get3A_26, %get3A_27, %get3A_28] : memref<1x1x1x768xf32, #tpu.memory_space<vmem>>, vector<1x1x1x768xf32>
      %get3A_30 = vector.shape_cast %get3A_29 : vector<1x1x1x768xf32> to vector<768xf32>
      %get3A_31 = arith.constant 0 : index
      %get3A_32 = arith.constant 0 : index
      %get3A_33 = arith.constant 0 : index
      %get3A_34 = arith.constant 0 : index
      %get3A_35 = vector.load %arg5[%get3A_31, %get3A_32, %get3A_33, %get3A_34] : memref<1x1x1x768xf32, #tpu.memory_space<vmem>>, vector<1x1x1x768xf32>
      %get3A_36 = vector.shape_cast %get3A_35 : vector<1x1x1x768xf32> to vector<768xf32>
      %reduce_sum3A = arith.constant dense<0.000000e+00> : vector<1024xf32>
      %reduce_sum3A_37 = vector.multi_reduction <add>, %get3A_24, %reduce_sum3A [1] : vector<1024x768xf32> to vector<1024xf32>
      %broadcast_in_dim3A = vector.shape_cast %reduce_sum3A_37 : vector<1024xf32> to vector<1024x1xf32>
      %div3A = arith.constant 7.680000e+02 : f32
      %div3A_38 = vector.broadcast %div3A : f32 to vector<1024x1xf32>
      %div3A_39 = arith.divf %broadcast_in_dim3A, %div3A_38 : vector<1024x1xf32>
      %jit3A = arith.constant 0 : i32
      %reduce_sum3A_40 = arith.constant dense<0.000000e+00> : vector<1024xf32>
      %reduce_sum3A_41 = vector.multi_reduction <add>, %get3A_24, %reduce_sum3A_40 [1] : vector<1024x768xf32> to vector<1024xf32>
      %broadcast_in_dim3A_42 = vector.shape_cast %reduce_sum3A_41 : vector<1024xf32> to vector<1024x1xf32>
      %div3A_43 = arith.constant 7.680000e+02 : f32
      %div3A_44 = vector.broadcast %div3A_43 : f32 to vector<1024x1xf32>
      %div3A_45 = arith.divf %broadcast_in_dim3A_42, %div3A_44 : vector<1024x1xf32>
      %sub3A = vector.broadcast %div3A_45 : vector<1024x1xf32> to vector<1024x768xf32>
      %sub3A_46 = arith.subf %get3A_24, %sub3A : vector<1024x768xf32>
      %square3A = arith.mulf %sub3A_46, %sub3A_46 : vector<1024x768xf32>
      %convert_element_type3A_47 = arith.sitofp %jit3A : i32 to f32
      %sub3A_48 = arith.constant 7.680000e+02 : f32
      %sub3A_49 = arith.subf %sub3A_48, %convert_element_type3A_47 : f32
      %reduce_sum3A_50 = arith.constant dense<0.000000e+00> : vector<1024xf32>
      %reduce_sum3A_51 = vector.multi_reduction <add>, %square3A, %reduce_sum3A_50 [1] : vector<1024x768xf32> to vector<1024xf32>
      %broadcast_in_dim3A_52 = vector.shape_cast %reduce_sum3A_51 : vector<1024xf32> to vector<1024x1xf32>
      %div3A_53 = vector.broadcast %sub3A_49 : f32 to vector<1024x1xf32>
      %div3A_54 = arith.divf %broadcast_in_dim3A_52, %div3A_53 : vector<1024x1xf32>
      %gt3A = arith.constant 0.000000e+00 : f32
      %gt3A_55 = arith.cmpf ogt, %sub3A_49, %gt3A : f32
      %jit3A_56 = arith.constant 0x7FC00000 : f32
      %broadcast_in_dim3A_57 = vector.broadcast %jit3A_56 : f32 to vector<1024x1xf32>
      %select_n3A = arith.select %gt3A_55, %div3A_54, %broadcast_in_dim3A_57 : vector<1024x1xf32>
      %sub3A_58 = vector.broadcast %div3A_39 : vector<1024x1xf32> to vector<1024x768xf32>
      %sub3A_59 = arith.subf %get3A_24, %sub3A_58 : vector<1024x768xf32>
      %add3A = arith.constant 9.99999974E-6 : f32
      %add3A_60 = vector.broadcast %add3A : f32 to vector<1024x1xf32>
      %add3A_61 = arith.addf %select_n3A, %add3A_60 : vector<1024x1xf32>
      %sqrt3A = math.sqrt %add3A_61 : vector<1024x1xf32>
      %div3A_62 = vector.broadcast %sqrt3A : vector<1024x1xf32> to vector<1024x768xf32>
      %div3A_63 = arith.divf %sub3A_59, %div3A_62 : vector<1024x768xf32>
      %broadcast_in_dim3A_64 = vector.shape_cast %get3A_30 : vector<768xf32> to vector<1x768xf32>
      %mul3A = vector.broadcast %broadcast_in_dim3A_64 : vector<1x768xf32> to vector<1024x768xf32>
      %mul3A_65 = arith.mulf %div3A_63, %mul3A : vector<1024x768xf32>
      %broadcast_in_dim3A_66 = vector.shape_cast %get3A_36 : vector<768xf32> to vector<1x768xf32>
      %add3A_67 = vector.broadcast %broadcast_in_dim3A_66 : vector<1x768xf32> to vector<1024x768xf32>
      %add3A_68 = arith.addf %mul3A_65, %add3A_67 : vector<1024x768xf32>
      %swap3A_69 = arith.constant 0 : index
      %swap3A_70 = arith.constant 0 : index
      %swap3A_71 = vector.load %arg7[%swap3A_69, %swap3A_70] : memref<1024x768xf32, #tpu.memory_space<vmem>>, vector<1024x768xf32>
      tpu.vector_store %arg7[%swap3A_69, %swap3A_70], %add3A_68 {strides = array<i32>} : memref<1024x768xf32, #tpu.memory_space<vmem>>, vector<1024x768xf32>,
    } else {
    }
    %get3A = arith.constant 0 : index
    %get3A_2 = arith.constant 0 : index
    %get3A_3 = vector.load %arg7[%get3A, %get3A_2] : memref<1024x768xf32, #tpu.memory_space<vmem>>, vector<1024x768xf32>
    %get3A_4 = arith.constant 0 : index
    %get3A_5 = arith.constant 0 : index
    %get3A_6 = arith.constant 0 : index
    %get3A_7 = arith.constant 0 : index
    %get3A_8 = arith.constant 0 : index
    %get3A_9 = vector.load %arg3[%get3A_4, %get3A_5, %get3A_6, %get3A_7, %get3A_8] : memref<1x1x1x768x768xf32, #tpu.memory_space<vmem>>, vector<1x1x1x768x768xf32>
    %get3A_10 = vector.shape_cast %get3A_9 : vector<1x1x1x768x768xf32> to vector<768x768xf32>
    %convert_element_type3A_11 = arith.truncf %get3A_3 : vector<1024x768xf32> to vector<1024x768xbf16>
    %convert_element_type3A_12 = arith.truncf %get3A_10 : vector<768x768xf32> to vector<768x768xbf16>
    %dot_general3A = arith.constant dense<0.000000e+00> : vector<1024x768xf32>
    %dot_general3A_13 = tpu.matmul %convert_element_type3A_11, %convert_element_type3A_12, %dot_general3A {dimension_numbers = #tpu.dot_dimension_numbers<[1], [0], [0], [1], [0, 0, 1, 1], [], []>, transpose_lhs_hint = false} : vector<1024x768xbf16>, vector<768x768xbf16>, vector<1024x768xf32> -> vector<1024x768xf32>
    %swap3A = arith.constant 0 : index
    %swap3A_14 = arith.constant 0 : index
    %swap3A_15 = arith.constant 0 : index
    %swap3A_16 = arith.constant 0 : index
    %swap3A_17 = vector.load %arg6[%swap3A, %swap3A_14, %swap3A_15, %swap3A_16] : memref<1x1x1024x768xf32, #tpu.memory_space<vmem>>, vector<1x1x1024x768xf32>
    %swap3A_18 = vector.shape_cast %swap3A_17 : vector<1x1x1024x768xf32> to vector<1024x768xf32>
    %swap3A_19 = vector.shape_cast %dot_general3A_13 : vector<1024x768xf32> to vector<1x1x1024x768xf32>
    tpu.vector_store %arg6[%swap3A, %swap3A_14, %swap3A_15, %swap3A_16], %swap3A_19 {strides = array<i32>} : memref<1x1x1024x768xf32, #tpu.memory_space<vmem>>, vector<1x1x1024x768xf32>,
    return
  }
  func.func @transform_0(%arg0: i32, %arg1: i32) -> (i32, i32, i32) {
    %c0_i32 = arith.constant 0 : i32
    %c0_i32_0 = arith.constant 0 : i32
    %c0_i32_1 = arith.constant 0 : i32
    return %arg0, %c0_i32, %c0_i32_0 : i32, i32, i32
  }
  func.func @transform_1(%arg0: i32, %arg1: i32) -> (i32, i32, i32, i32, i32) {
    %c0_i32 = arith.constant 0 : i32
    %c0_i32_0 = arith.constant 0 : i32
    %c0_i32_1 = arith.constant 0 : i32
    %c0_i32_2 = arith.constant 0 : i32
    return %arg0, %c0_i32, %arg1, %c0_i32_0, %c0_i32_1 : i32, i32, i32, i32, i32
  }
  func.func @transform_2(%arg0: i32, %arg1: i32) -> (i32, i32, i32, i32) {
    %c0_i32 = arith.constant 0 : i32
    %c0_i32_0 = arith.constant 0 : i32
    %c0_i32_1 = arith.constant 0 : i32
    %c0_i32_2 = arith.constant 0 : i32
    return %arg0, %c0_i32, %c0_i32_0, %c0_i32_1 : i32, i32, i32, i32
  }
  func.func @transform_3(%arg0: i32, %arg1: i32) -> (i32, i32, i32, i32) {
    %c0_i32 = arith.constant 0 : i32
    %c0_i32_0 = arith.constant 0 : i32
    %c0_i32_1 = arith.constant 0 : i32
    %c0_i32_2 = arith.constant 0 : i32
    return %arg0, %c0_i32, %c0_i32_0, %c0_i32_1 : i32, i32, i32, i32
  }
  func.func @transform_4(%arg0: i32, %arg1: i32) -> (i32, i32, i32, i32) {
    %c0_i32 = arith.constant 0 : i32
    %c0_i32_0 = arith.constant 0 : i32
    %c0_i32_1 = arith.constant 0 : i32
    return %arg0, %arg1, %c0_i32, %c0_i32_0 : i32, i32, i32, i32
  }
}

module attributes {stable_mosaic.version = 14 : i64} {
  func.func @body(%arg0: i32, %arg1: i32, %arg2: memref<1x1024x768xf32, #tpu.memory_space<vmem>>, %arg3: memref<1x3x1024x128xf32, #tpu.memory_space<vmem>>, %arg4: memref<1x1x1x128x768xf32, #tpu.memory_space<vmem>>, %arg5: memref<1x1024x768xf32, #tpu.memory_space<vmem>>) attributes {dimension_semantics = [#tpu.dimension_semantics<arbitrary>, #tpu.dimension_semantics<arbitrary>], iteration_bounds = array<i64: 8, 6>, scalar_prefetch = 0 : i64, scratch_operands = 0 : i64, tpu.core_type = #tpu.core_type<tc>, window_params = [{transform_indices = @transform_0, window_bounds = array<i64: 1, 1024, 768>}, {transform_indices = @transform_1, window_bounds = array<i64: 1, 3, 1024, 128>}, {transform_indices = @transform_2, window_bounds = array<i64: 1, 1, 1, 128, 768>}, {transform_indices = @transform_3, window_bounds = array<i64: 1, 1024, 768>}]} {
    %iota3A = tpu.iota {dimensions = array<i32: 0>} : vector<1024x1024xi32>
    %iota3A_0 = tpu.iota {dimensions = array<i32: 1>} : vector<1024x1024xi32>
    %ge3A = arith.cmpi sge, %iota3A, %iota3A_0 : vector<1024x1024xi32>
    %eq3A = arith.constant 0 : i32
    %eq3A_1 = arith.cmpi eq, %arg1, %eq3A : i32
    %convert_element_type3A = arith.extui %eq3A_1 : i1 to i32
    %cond3A = arith.constant 0 : i32
    %cond3A_2 = arith.cmpi ne, %convert_element_type3A, %cond3A : i32
    scf.if %cond3A_2 {
      %get3A_106 = arith.constant 0 : index
      %get3A_107 = arith.constant 0 : index
      %get3A_108 = arith.constant 0 : index
      %get3A_109 = vector.load %arg2[%get3A_106, %get3A_107, %get3A_108] : memref<1x1024x768xf32, #tpu.memory_space<vmem>>, vector<1x1024x768xf32>
      %get3A_110 = vector.shape_cast %get3A_109 : vector<1x1024x768xf32> to vector<1024x768xf32>
      %swap3A_111 = arith.constant 0 : index
      %swap3A_112 = arith.constant 0 : index
      %swap3A_113 = arith.constant 0 : index
      %swap3A_114 = vector.load %arg5[%swap3A_111, %swap3A_112, %swap3A_113] : memref<1x1024x768xf32, #tpu.memory_space<vmem>>, vector<1x1024x768xf32>
      %swap3A_115 = vector.shape_cast %swap3A_114 : vector<1x1024x768xf32> to vector<1024x768xf32>
      %swap3A_116 = vector.shape_cast %get3A_110 : vector<1024x768xf32> to vector<1x1024x768xf32>
      tpu.vector_store %arg5[%swap3A_111, %swap3A_112, %swap3A_113], %swap3A_116 {strides = array<i32>} : memref<1x1024x768xf32, #tpu.memory_space<vmem>>, vector<1x1024x768xf32>,
    } else {
    }
    %get3A = arith.constant 0 : index
    %get3A_3 = arith.constant 0 : index
    %get3A_4 = arith.constant 0 : index
    %get3A_5 = arith.constant 0 : index
    %get3A_6 = vector.load %arg3[%get3A, %get3A_3, %get3A_4, %get3A_5] : memref<1x3x1024x128xf32, #tpu.memory_space<vmem>>, vector<1x1x1024x64xf32>
    %get3A_7 = vector.shape_cast %get3A_6 : vector<1x1x1024x64xf32> to vector<1024x64xf32>
    %get3A_8 = arith.constant 0 : index
    %get3A_9 = arith.constant 1 : index
    %get3A_10 = arith.constant 0 : index
    %get3A_11 = arith.constant 0 : index
    %get3A_12 = vector.load %arg3[%get3A_8, %get3A_9, %get3A_10, %get3A_11] : memref<1x3x1024x128xf32, #tpu.memory_space<vmem>>, vector<1x1x1024x64xf32>
    %get3A_13 = vector.shape_cast %get3A_12 : vector<1x1x1024x64xf32> to vector<1024x64xf32>
    %get3A_14 = arith.constant 0 : index
    %get3A_15 = arith.constant 2 : index
    %get3A_16 = arith.constant 0 : index
    %get3A_17 = arith.constant 0 : index
    %get3A_18 = vector.load %arg3[%get3A_14, %get3A_15, %get3A_16, %get3A_17] : memref<1x3x1024x128xf32, #tpu.memory_space<vmem>>, vector<1x1x1024x64xf32>
    %get3A_19 = vector.shape_cast %get3A_18 : vector<1x1x1024x64xf32> to vector<1024x64xf32>
    %convert_element_type3A_20 = arith.truncf %get3A_7 : vector<1024x64xf32> to vector<1024x64xbf16>
    %convert_element_type3A_21 = arith.truncf %get3A_13 : vector<1024x64xf32> to vector<1024x64xbf16>
    %dot_general3A = arith.constant dense<0.000000e+00> : vector<1024x1024xf32>
    %dot_general3A_22 = tpu.matmul %convert_element_type3A_20, %convert_element_type3A_21, %dot_general3A {dimension_numbers = #tpu.dot_dimension_numbers<[1], [1], [0], [0], [0, 0, 1, 0], [], []>, transpose_lhs_hint = false} : vector<1024x64xbf16>, vector<1024x64xbf16>, vector<1024x1024xf32> -> vector<1024x1024xf32>
    %sqrt3A = arith.constant 6.400000e+01 : f32
    %sqrt3A_23 = math.sqrt %sqrt3A : f32
    %div3A = vector.broadcast %sqrt3A_23 : f32 to vector<1024x1024xf32>
    %div3A_24 = arith.divf %dot_general3A_22, %div3A : vector<1024x1024xf32>
    %jit3A = arith.constant -1.000000e+09 : f32
    %broadcast_in_dim3A = vector.broadcast %jit3A : f32 to vector<1024x1024xf32>
    %select_n3A = arith.select %ge3A, %div3A_24, %broadcast_in_dim3A : vector<1024x1024xi1>, vector<1024x1024xf32>
    %reduce_max3A = arith.constant dense<0xFF800000> : vector<1024xf32>
    %reduce_max3A_25 = vector.multi_reduction <maximumf>, %select_n3A, %reduce_max3A [1] : vector<1024x1024xf32> to vector<1024xf32>
    %max3A = arith.constant 0xFF800000 : f32
    %max3A_26 = vector.broadcast %max3A : f32 to vector<1024xf32>
    %max3A_27 = arith.maximumf %max3A_26, %reduce_max3A_25 : vector<1024xf32>
    %broadcast_in_dim3A_28 = vector.shape_cast %max3A_27 : vector<1024xf32> to vector<1024x1xf32>
    %sub3A = vector.broadcast %broadcast_in_dim3A_28 : vector<1024x1xf32> to vector<1024x1024xf32>
    %sub3A_29 = arith.subf %select_n3A, %sub3A : vector<1024x1024xf32>
    %exp3A = math.exp %sub3A_29 : vector<1024x1024xf32>
    %reduce_sum3A = arith.constant dense<0.000000e+00> : vector<1024xf32>
    %reduce_sum3A_30 = vector.multi_reduction <add>, %exp3A, %reduce_sum3A [1] : vector<1024x1024xf32> to vector<1024xf32>
    %broadcast_in_dim3A_31 = vector.shape_cast %reduce_sum3A_30 : vector<1024xf32> to vector<1024x1xf32>
    %div3A_32 = vector.broadcast %broadcast_in_dim3A_31 : vector<1024x1xf32> to vector<1024x1024xf32>
    %div3A_33 = arith.divf %exp3A, %div3A_32 : vector<1024x1024xf32>
    %convert_element_type3A_34 = arith.truncf %div3A_33 : vector<1024x1024xf32> to vector<1024x1024xbf16>
    %convert_element_type3A_35 = arith.truncf %get3A_19 : vector<1024x64xf32> to vector<1024x64xbf16>
    %dot_general3A_36 = arith.constant dense<0.000000e+00> : vector<1024x64xf32>
    %dot_general3A_37 = tpu.matmul %convert_element_type3A_34, %convert_element_type3A_35, %dot_general3A_36 {dimension_numbers = #tpu.dot_dimension_numbers<[1], [0], [0], [1], [0, 0, 1, 1], [], []>, transpose_lhs_hint = false} : vector<1024x1024xbf16>, vector<1024x64xbf16>, vector<1024x64xf32> -> vector<1024x64xf32>
    %get3A_38 = arith.constant 0 : index
    %get3A_39 = arith.constant 0 : index
    %get3A_40 = arith.constant 0 : index
    %get3A_41 = arith.constant 64 : index
    %get3A_42 = vector.load %arg3[%get3A_38, %get3A_39, %get3A_40, %get3A_41] : memref<1x3x1024x128xf32, #tpu.memory_space<vmem>>, vector<1x1x1024x64xf32>
    %get3A_43 = vector.shape_cast %get3A_42 : vector<1x1x1024x64xf32> to vector<1024x64xf32>
    %get3A_44 = arith.constant 0 : index
    %get3A_45 = arith.constant 1 : index
    %get3A_46 = arith.constant 0 : index
    %get3A_47 = arith.constant 64 : index
    %get3A_48 = vector.load %arg3[%get3A_44, %get3A_45, %get3A_46, %get3A_47] : memref<1x3x1024x128xf32, #tpu.memory_space<vmem>>, vector<1x1x1024x64xf32>
    %get3A_49 = vector.shape_cast %get3A_48 : vector<1x1x1024x64xf32> to vector<1024x64xf32>
    %get3A_50 = arith.constant 0 : index
    %get3A_51 = arith.constant 2 : index
    %get3A_52 = arith.constant 0 : index
    %get3A_53 = arith.constant 64 : index
    %get3A_54 = vector.load %arg3[%get3A_50, %get3A_51, %get3A_52, %get3A_53] : memref<1x3x1024x128xf32, #tpu.memory_space<vmem>>, vector<1x1x1024x64xf32>
    %get3A_55 = vector.shape_cast %get3A_54 : vector<1x1x1024x64xf32> to vector<1024x64xf32>
    %convert_element_type3A_56 = arith.truncf %get3A_43 : vector<1024x64xf32> to vector<1024x64xbf16>
    %convert_element_type3A_57 = arith.truncf %get3A_49 : vector<1024x64xf32> to vector<1024x64xbf16>
    %dot_general3A_58 = arith.constant dense<0.000000e+00> : vector<1024x1024xf32>
    %dot_general3A_59 = tpu.matmul %convert_element_type3A_56, %convert_element_type3A_57, %dot_general3A_58 {dimension_numbers = #tpu.dot_dimension_numbers<[1], [1], [0], [0], [0, 0, 1, 0], [], []>, transpose_lhs_hint = false} : vector<1024x64xbf16>, vector<1024x64xbf16>, vector<1024x1024xf32> -> vector<1024x1024xf32>
    %sqrt3A_60 = arith.constant 6.400000e+01 : f32
    %sqrt3A_61 = math.sqrt %sqrt3A_60 : f32
    %div3A_62 = vector.broadcast %sqrt3A_61 : f32 to vector<1024x1024xf32>
    %div3A_63 = arith.divf %dot_general3A_59, %div3A_62 : vector<1024x1024xf32>
    %jit3A_64 = arith.constant -1.000000e+09 : f32
    %broadcast_in_dim3A_65 = vector.broadcast %jit3A_64 : f32 to vector<1024x1024xf32>
    %select_n3A_66 = arith.select %ge3A, %div3A_63, %broadcast_in_dim3A_65 : vector<1024x1024xi1>, vector<1024x1024xf32>
    %reduce_max3A_67 = arith.constant dense<0xFF800000> : vector<1024xf32>
    %reduce_max3A_68 = vector.multi_reduction <maximumf>, %select_n3A_66, %reduce_max3A_67 [1] : vector<1024x1024xf32> to vector<1024xf32>
    %max3A_69 = arith.constant 0xFF800000 : f32
    %max3A_70 = vector.broadcast %max3A_69 : f32 to vector<1024xf32>
    %max3A_71 = arith.maximumf %max3A_70, %reduce_max3A_68 : vector<1024xf32>
    %broadcast_in_dim3A_72 = vector.shape_cast %max3A_71 : vector<1024xf32> to vector<1024x1xf32>
    %sub3A_73 = vector.broadcast %broadcast_in_dim3A_72 : vector<1024x1xf32> to vector<1024x1024xf32>
    %sub3A_74 = arith.subf %select_n3A_66, %sub3A_73 : vector<1024x1024xf32>
    %exp3A_75 = math.exp %sub3A_74 : vector<1024x1024xf32>
    %reduce_sum3A_76 = arith.constant dense<0.000000e+00> : vector<1024xf32>
    %reduce_sum3A_77 = vector.multi_reduction <add>, %exp3A_75, %reduce_sum3A_76 [1] : vector<1024x1024xf32> to vector<1024xf32>
    %broadcast_in_dim3A_78 = vector.shape_cast %reduce_sum3A_77 : vector<1024xf32> to vector<1024x1xf32>
    %div3A_79 = vector.broadcast %broadcast_in_dim3A_78 : vector<1024x1xf32> to vector<1024x1024xf32>
    %div3A_80 = arith.divf %exp3A_75, %div3A_79 : vector<1024x1024xf32>
    %convert_element_type3A_81 = arith.truncf %div3A_80 : vector<1024x1024xf32> to vector<1024x1024xbf16>
    %convert_element_type3A_82 = arith.truncf %get3A_55 : vector<1024x64xf32> to vector<1024x64xbf16>
    %dot_general3A_83 = arith.constant dense<0.000000e+00> : vector<1024x64xf32>
    %dot_general3A_84 = tpu.matmul %convert_element_type3A_81, %convert_element_type3A_82, %dot_general3A_83 {dimension_numbers = #tpu.dot_dimension_numbers<[1], [0], [0], [1], [0, 0, 1, 1], [], []>, transpose_lhs_hint = false} : vector<1024x1024xbf16>, vector<1024x64xbf16>, vector<1024x64xf32> -> vector<1024x64xf32>
    %concatenate3A = tpu.concatenate %dot_general3A_37, %dot_general3A_84 in 1 : vector<1024x64xf32>, vector<1024x64xf32> -> vector<1024x128xf32>
    %get3A_85 = arith.constant 0 : index
    %get3A_86 = arith.constant 0 : index
    %get3A_87 = arith.constant 0 : index
    %get3A_88 = vector.load %arg5[%get3A_85, %get3A_86, %get3A_87] : memref<1x1024x768xf32, #tpu.memory_space<vmem>>, vector<1x1024x768xf32>
    %get3A_89 = vector.shape_cast %get3A_88 : vector<1x1024x768xf32> to vector<1024x768xf32>
    %get3A_90 = arith.constant 0 : index
    %get3A_91 = arith.constant 0 : index
    %get3A_92 = arith.constant 0 : index
    %get3A_93 = arith.constant 0 : index
    %get3A_94 = arith.constant 0 : index
    %get3A_95 = vector.load %arg4[%get3A_90, %get3A_91, %get3A_92, %get3A_93, %get3A_94] : memref<1x1x1x128x768xf32, #tpu.memory_space<vmem>>, vector<1x1x1x128x768xf32>
    %get3A_96 = vector.shape_cast %get3A_95 : vector<1x1x1x128x768xf32> to vector<128x768xf32>
    %convert_element_type3A_97 = arith.truncf %concatenate3A : vector<1024x128xf32> to vector<1024x128xbf16>
    %convert_element_type3A_98 = arith.truncf %get3A_96 : vector<128x768xf32> to vector<128x768xbf16>
    %dot_general3A_99 = arith.constant dense<0.000000e+00> : vector<1024x768xf32>
    %dot_general3A_100 = tpu.matmul %convert_element_type3A_97, %convert_element_type3A_98, %dot_general3A_99 {dimension_numbers = #tpu.dot_dimension_numbers<[1], [0], [0], [1], [0, 0, 1, 1], [], []>, transpose_lhs_hint = false} : vector<1024x128xbf16>, vector<128x768xbf16>, vector<1024x768xf32> -> vector<1024x768xf32>
    %add3A = arith.addf %get3A_89, %dot_general3A_100 : vector<1024x768xf32>
    %swap3A = arith.constant 0 : index
    %swap3A_101 = arith.constant 0 : index
    %swap3A_102 = arith.constant 0 : index
    %swap3A_103 = vector.load %arg5[%swap3A, %swap3A_101, %swap3A_102] : memref<1x1024x768xf32, #tpu.memory_space<vmem>>, vector<1x1024x768xf32>
    %swap3A_104 = vector.shape_cast %swap3A_103 : vector<1x1024x768xf32> to vector<1024x768xf32>
    %swap3A_105 = vector.shape_cast %add3A : vector<1024x768xf32> to vector<1x1024x768xf32>
    tpu.vector_store %arg5[%swap3A, %swap3A_101, %swap3A_102], %swap3A_105 {strides = array<i32>} : memref<1x1024x768xf32, #tpu.memory_space<vmem>>, vector<1x1024x768xf32>,
    return
  }
  func.func @transform_0(%arg0: i32, %arg1: i32) -> (i32, i32, i32) {
    %c0_i32 = arith.constant 0 : i32
    %c0_i32_0 = arith.constant 0 : i32
    %c0_i32_1 = arith.constant 0 : i32
    return %arg0, %c0_i32, %c0_i32_0 : i32, i32, i32
  }
  func.func @transform_1(%arg0: i32, %arg1: i32) -> (i32, i32, i32, i32) {
    %c0_i32 = arith.constant 0 : i32
    %c0_i32_0 = arith.constant 0 : i32
    %c0_i32_1 = arith.constant 0 : i32
    return %arg0, %c0_i32, %c0_i32_0, %arg1 : i32, i32, i32, i32
  }
  func.func @transform_2(%arg0: i32, %arg1: i32) -> (i32, i32, i32, i32, i32) {
    %c0_i32 = arith.constant 0 : i32
    %c0_i32_0 = arith.constant 0 : i32
    %c0_i32_1 = arith.constant 0 : i32
    %c0_i32_2 = arith.constant 0 : i32
    return %arg0, %c0_i32, %arg1, %c0_i32_0, %c0_i32_1 : i32, i32, i32, i32, i32
  }
  func.func @transform_3(%arg0: i32, %arg1: i32) -> (i32, i32, i32) {
    %c0_i32 = arith.constant 0 : i32
    %c0_i32_0 = arith.constant 0 : i32
    %c0_i32_1 = arith.constant 0 : i32
    return %arg0, %c0_i32, %c0_i32_0 : i32, i32, i32
  }
}

module attributes {stable_mosaic.version = 14 : i64} {
  func.func @body(%arg0: i32, %arg1: i32, %arg2: memref<1x1024x768xf32, #tpu.memory_space<vmem>>, %arg3: memref<1x1x768x768xf32, #tpu.memory_space<vmem>>, %arg4: memref<1x1x1x768xf32, #tpu.memory_space<vmem>>, %arg5: memref<1x1x768x768xf32, #tpu.memory_space<vmem>>, %arg6: memref<1x1x1x768xf32, #tpu.memory_space<vmem>>, %arg7: memref<1x1x1x768xf32, #tpu.memory_space<vmem>>, %arg8: memref<1x1x1x768xf32, #tpu.memory_space<vmem>>, %arg9: memref<1x1024x768xf32, #tpu.memory_space<vmem>>, %arg10: memref<1024x768xf32, #tpu.memory_space<vmem>>) attributes {dimension_semantics = [#tpu.dimension_semantics<arbitrary>, #tpu.dimension_semantics<arbitrary>], iteration_bounds = array<i64: 8, 4>, scalar_prefetch = 0 : i64, scratch_operands = 1 : i64, tpu.core_type = #tpu.core_type<tc>, window_params = [{transform_indices = @transform_0, window_bounds = array<i64: 1, 1024, 768>}, {transform_indices = @transform_1, window_bounds = array<i64: 1, 1, 768, 768>}, {transform_indices = @transform_2, window_bounds = array<i64: 1, 1, 1, 768>}, {transform_indices = @transform_3, window_bounds = array<i64: 1, 1, 768, 768>}, {transform_indices = @transform_4, window_bounds = array<i64: 1, 1, 1, 768>}, {transform_indices = @transform_5, window_bounds = array<i64: 1, 1, 1, 768>}, {transform_indices = @transform_6, window_bounds = array<i64: 1, 1, 1, 768>}, {transform_indices = @transform_7, window_bounds = array<i64: 1, 1024, 768>}]} {
    %eq3A = arith.constant 0 : i32
    %eq3A_0 = arith.cmpi eq, %arg1, %eq3A : i32
    %convert_element_type3A = arith.extui %eq3A_0 : i1 to i32
    %cond3A = arith.constant 0 : i32
    %cond3A_1 = arith.cmpi ne, %convert_element_type3A, %cond3A : i32
    scf.if %cond3A_1 {
      %get3A_55 = arith.constant 0 : index
      %get3A_56 = arith.constant 0 : index
      %get3A_57 = arith.constant 0 : index
      %get3A_58 = vector.load %arg2[%get3A_55, %get3A_56, %get3A_57] : memref<1x1024x768xf32, #tpu.memory_space<vmem>>, vector<1x1024x768xf32>
      %get3A_59 = vector.shape_cast %get3A_58 : vector<1x1024x768xf32> to vector<1024x768xf32>
      %get3A_60 = arith.constant 0 : index
      %get3A_61 = arith.constant 0 : index
      %get3A_62 = arith.constant 0 : index
      %get3A_63 = arith.constant 0 : index
      %get3A_64 = vector.load %arg7[%get3A_60, %get3A_61, %get3A_62, %get3A_63] : memref<1x1x1x768xf32, #tpu.memory_space<vmem>>, vector<1x1x1x768xf32>
      %get3A_65 = vector.shape_cast %get3A_64 : vector<1x1x1x768xf32> to vector<768xf32>
      %get3A_66 = arith.constant 0 : index
      %get3A_67 = arith.constant 0 : index
      %get3A_68 = arith.constant 0 : index
      %get3A_69 = arith.constant 0 : index
      %get3A_70 = vector.load %arg8[%get3A_66, %get3A_67, %get3A_68, %get3A_69] : memref<1x1x1x768xf32, #tpu.memory_space<vmem>>, vector<1x1x1x768xf32>
      %get3A_71 = vector.shape_cast %get3A_70 : vector<1x1x1x768xf32> to vector<768xf32>
      %reduce_sum3A = arith.constant dense<0.000000e+00> : vector<1024xf32>
      %reduce_sum3A_72 = vector.multi_reduction <add>, %get3A_59, %reduce_sum3A [1] : vector<1024x768xf32> to vector<1024xf32>
      %broadcast_in_dim3A_73 = vector.shape_cast %reduce_sum3A_72 : vector<1024xf32> to vector<1024x1xf32>
      %div3A = arith.constant 7.680000e+02 : f32
      %div3A_74 = vector.broadcast %div3A : f32 to vector<1024x1xf32>
      %div3A_75 = arith.divf %broadcast_in_dim3A_73, %div3A_74 : vector<1024x1xf32>
      %jit3A = arith.constant 0 : i32
      %reduce_sum3A_76 = arith.constant dense<0.000000e+00> : vector<1024xf32>
      %reduce_sum3A_77 = vector.multi_reduction <add>, %get3A_59, %reduce_sum3A_76 [1] : vector<1024x768xf32> to vector<1024xf32>
      %broadcast_in_dim3A_78 = vector.shape_cast %reduce_sum3A_77 : vector<1024xf32> to vector<1024x1xf32>
      %div3A_79 = arith.constant 7.680000e+02 : f32
      %div3A_80 = vector.broadcast %div3A_79 : f32 to vector<1024x1xf32>
      %div3A_81 = arith.divf %broadcast_in_dim3A_78, %div3A_80 : vector<1024x1xf32>
      %sub3A = vector.broadcast %div3A_81 : vector<1024x1xf32> to vector<1024x768xf32>
      %sub3A_82 = arith.subf %get3A_59, %sub3A : vector<1024x768xf32>
      %square3A = arith.mulf %sub3A_82, %sub3A_82 : vector<1024x768xf32>
      %convert_element_type3A_83 = arith.sitofp %jit3A : i32 to f32
      %sub3A_84 = arith.constant 7.680000e+02 : f32
      %sub3A_85 = arith.subf %sub3A_84, %convert_element_type3A_83 : f32
      %reduce_sum3A_86 = arith.constant dense<0.000000e+00> : vector<1024xf32>
      %reduce_sum3A_87 = vector.multi_reduction <add>, %square3A, %reduce_sum3A_86 [1] : vector<1024x768xf32> to vector<1024xf32>
      %broadcast_in_dim3A_88 = vector.shape_cast %reduce_sum3A_87 : vector<1024xf32> to vector<1024x1xf32>
      %div3A_89 = vector.broadcast %sub3A_85 : f32 to vector<1024x1xf32>
      %div3A_90 = arith.divf %broadcast_in_dim3A_88, %div3A_89 : vector<1024x1xf32>
      %gt3A = arith.constant 0.000000e+00 : f32
      %gt3A_91 = arith.cmpf ogt, %sub3A_85, %gt3A : f32
      %jit3A_92 = arith.constant 0x7FC00000 : f32
      %broadcast_in_dim3A_93 = vector.broadcast %jit3A_92 : f32 to vector<1024x1xf32>
      %select_n3A = arith.select %gt3A_91, %div3A_90, %broadcast_in_dim3A_93 : vector<1024x1xf32>
      %sub3A_94 = vector.broadcast %div3A_75 : vector<1024x1xf32> to vector<1024x768xf32>
      %sub3A_95 = arith.subf %get3A_59, %sub3A_94 : vector<1024x768xf32>
      %add3A_96 = arith.constant 9.99999974E-6 : f32
      %add3A_97 = vector.broadcast %add3A_96 : f32 to vector<1024x1xf32>
      %add3A_98 = arith.addf %select_n3A, %add3A_97 : vector<1024x1xf32>
      %sqrt3A = math.sqrt %add3A_98 : vector<1024x1xf32>
      %div3A_99 = vector.broadcast %sqrt3A : vector<1024x1xf32> to vector<1024x768xf32>
      %div3A_100 = arith.divf %sub3A_95, %div3A_99 : vector<1024x768xf32>
      %broadcast_in_dim3A_101 = vector.shape_cast %get3A_65 : vector<768xf32> to vector<1x768xf32>
      %mul3A_102 = vector.broadcast %broadcast_in_dim3A_101 : vector<1x768xf32> to vector<1024x768xf32>
      %mul3A_103 = arith.mulf %div3A_100, %mul3A_102 : vector<1024x768xf32>
      %broadcast_in_dim3A_104 = vector.shape_cast %get3A_71 : vector<768xf32> to vector<1x768xf32>
      %add3A_105 = vector.broadcast %broadcast_in_dim3A_104 : vector<1x768xf32> to vector<1024x768xf32>
      %add3A_106 = arith.addf %mul3A_103, %add3A_105 : vector<1024x768xf32>
      %swap3A_107 = arith.constant 0 : index
      %swap3A_108 = arith.constant 0 : index
      %swap3A_109 = vector.load %arg10[%swap3A_107, %swap3A_108] : memref<1024x768xf32, #tpu.memory_space<vmem>>, vector<1024x768xf32>
      tpu.vector_store %arg10[%swap3A_107, %swap3A_108], %add3A_106 {strides = array<i32>} : memref<1024x768xf32, #tpu.memory_space<vmem>>, vector<1024x768xf32>,
      %get3A_110 = arith.constant 0 : index
      %get3A_111 = arith.constant 0 : index
      %get3A_112 = arith.constant 0 : index
      %get3A_113 = vector.load %arg2[%get3A_110, %get3A_111, %get3A_112] : memref<1x1024x768xf32, #tpu.memory_space<vmem>>, vector<1x1024x768xf32>
      %get3A_114 = vector.shape_cast %get3A_113 : vector<1x1024x768xf32> to vector<1024x768xf32>
      %get3A_115 = arith.constant 0 : index
      %get3A_116 = arith.constant 0 : index
      %get3A_117 = arith.constant 0 : index
      %get3A_118 = arith.constant 0 : index
      %get3A_119 = vector.load %arg6[%get3A_115, %get3A_116, %get3A_117, %get3A_118] : memref<1x1x1x768xf32, #tpu.memory_space<vmem>>, vector<1x1x1x768xf32>
      %get3A_120 = vector.shape_cast %get3A_119 : vector<1x1x1x768xf32> to vector<768xf32>
      %broadcast_in_dim3A_121 = vector.shape_cast %get3A_120 : vector<768xf32> to vector<1x768xf32>
      %add3A_122 = vector.broadcast %broadcast_in_dim3A_121 : vector<1x768xf32> to vector<1024x768xf32>
      %add3A_123 = arith.addf %get3A_114, %add3A_122 : vector<1024x768xf32>
      %swap3A_124 = arith.constant 0 : index
      %swap3A_125 = arith.constant 0 : index
      %swap3A_126 = arith.constant 0 : index
      %swap3A_127 = vector.load %arg9[%swap3A_124, %swap3A_125, %swap3A_126] : memref<1x1024x768xf32, #tpu.memory_space<vmem>>, vector<1x1024x768xf32>
      %swap3A_128 = vector.shape_cast %swap3A_127 : vector<1x1024x768xf32> to vector<1024x768xf32>
      %swap3A_129 = vector.shape_cast %add3A_123 : vector<1024x768xf32> to vector<1x1024x768xf32>
      tpu.vector_store %arg9[%swap3A_124, %swap3A_125, %swap3A_126], %swap3A_129 {strides = array<i32>} : memref<1x1024x768xf32, #tpu.memory_space<vmem>>, vector<1x1024x768xf32>,
    } else {
    }
    %get3A = arith.constant 0 : index
    %get3A_2 = arith.constant 0 : index
    %get3A_3 = vector.load %arg10[%get3A, %get3A_2] : memref<1024x768xf32, #tpu.memory_space<vmem>>, vector<1024x768xf32>
    %get3A_4 = arith.constant 0 : index
    %get3A_5 = arith.constant 0 : index
    %get3A_6 = arith.constant 0 : index
    %get3A_7 = arith.constant 0 : index
    %get3A_8 = vector.load %arg3[%get3A_4, %get3A_5, %get3A_6, %get3A_7] : memref<1x1x768x768xf32, #tpu.memory_space<vmem>>, vector<1x1x768x768xf32>
    %get3A_9 = vector.shape_cast %get3A_8 : vector<1x1x768x768xf32> to vector<768x768xf32>
    %convert_element_type3A_10 = arith.truncf %get3A_3 : vector<1024x768xf32> to vector<1024x768xbf16>
    %convert_element_type3A_11 = arith.truncf %get3A_9 : vector<768x768xf32> to vector<768x768xbf16>
    %dot_general3A = arith.constant dense<0.000000e+00> : vector<1024x768xf32>
    %dot_general3A_12 = tpu.matmul %convert_element_type3A_10, %convert_element_type3A_11, %dot_general3A {dimension_numbers = #tpu.dot_dimension_numbers<[1], [0], [0], [1], [0, 0, 1, 1], [], []>, transpose_lhs_hint = false} : vector<1024x768xbf16>, vector<768x768xbf16>, vector<1024x768xf32> -> vector<1024x768xf32>
    %get3A_13 = arith.constant 0 : index
    %get3A_14 = arith.constant 0 : index
    %get3A_15 = arith.constant 0 : index
    %get3A_16 = arith.constant 0 : index
    %get3A_17 = vector.load %arg4[%get3A_13, %get3A_14, %get3A_15, %get3A_16] : memref<1x1x1x768xf32, #tpu.memory_space<vmem>>, vector<1x1x1x768xf32>
    %get3A_18 = vector.shape_cast %get3A_17 : vector<1x1x1x768xf32> to vector<768xf32>
    %broadcast_in_dim3A = vector.shape_cast %get3A_18 : vector<768xf32> to vector<1x768xf32>
    %add3A = vector.broadcast %broadcast_in_dim3A : vector<1x768xf32> to vector<1024x768xf32>
    %add3A_19 = arith.addf %dot_general3A_12, %add3A : vector<1024x768xf32>
    %integer_pow3A = arith.mulf %add3A_19, %add3A_19 : vector<1024x768xf32>
    %integer_pow3A_20 = arith.mulf %add3A_19, %integer_pow3A : vector<1024x768xf32>
    %mul3A = arith.constant 4.471500e-02 : f32
    %mul3A_21 = vector.broadcast %mul3A : f32 to vector<1024x768xf32>
    %mul3A_22 = arith.mulf %mul3A_21, %integer_pow3A_20 : vector<1024x768xf32>
    %add3A_23 = arith.addf %add3A_19, %mul3A_22 : vector<1024x768xf32>
    %mul3A_24 = arith.constant 0.797884583 : f32
    %mul3A_25 = vector.broadcast %mul3A_24 : f32 to vector<1024x768xf32>
    %mul3A_26 = arith.mulf %mul3A_25, %add3A_23 : vector<1024x768xf32>
    %tanh3A = math.tanh %mul3A_26 : vector<1024x768xf32>
    %add3A_27 = arith.constant 1.000000e+00 : f32
    %add3A_28 = vector.broadcast %add3A_27 : f32 to vector<1024x768xf32>
    %add3A_29 = arith.addf %add3A_28, %tanh3A : vector<1024x768xf32>
    %mul3A_30 = arith.constant 5.000000e-01 : f32
    %mul3A_31 = vector.broadcast %mul3A_30 : f32 to vector<1024x768xf32>
    %mul3A_32 = arith.mulf %mul3A_31, %add3A_29 : vector<1024x768xf32>
    %mul3A_33 = arith.mulf %add3A_19, %mul3A_32 : vector<1024x768xf32>
    %get3A_34 = arith.constant 0 : index
    %get3A_35 = arith.constant 0 : index
    %get3A_36 = arith.constant 0 : index
    %get3A_37 = vector.load %arg9[%get3A_34, %get3A_35, %get3A_36] : memref<1x1024x768xf32, #tpu.memory_space<vmem>>, vector<1x1024x768xf32>
    %get3A_38 = vector.shape_cast %get3A_37 : vector<1x1024x768xf32> to vector<1024x768xf32>
    %get3A_39 = arith.constant 0 : index
    %get3A_40 = arith.constant 0 : index
    %get3A_41 = arith.constant 0 : index
    %get3A_42 = arith.constant 0 : index
    %get3A_43 = vector.load %arg5[%get3A_39, %get3A_40, %get3A_41, %get3A_42] : memref<1x1x768x768xf32, #tpu.memory_space<vmem>>, vector<1x1x768x768xf32>
    %get3A_44 = vector.shape_cast %get3A_43 : vector<1x1x768x768xf32> to vector<768x768xf32>
    %convert_element_type3A_45 = arith.truncf %mul3A_33 : vector<1024x768xf32> to vector<1024x768xbf16>
    %convert_element_type3A_46 = arith.truncf %get3A_44 : vector<768x768xf32> to vector<768x768xbf16>
    %dot_general3A_47 = arith.constant dense<0.000000e+00> : vector<1024x768xf32>
    %dot_general3A_48 = tpu.matmul %convert_element_type3A_45, %convert_element_type3A_46, %dot_general3A_47 {dimension_numbers = #tpu.dot_dimension_numbers<[1], [0], [0], [1], [0, 0, 1, 1], [], []>, transpose_lhs_hint = false} : vector<1024x768xbf16>, vector<768x768xbf16>, vector<1024x768xf32> -> vector<1024x768xf32>
    %add3A_49 = arith.addf %get3A_38, %dot_general3A_48 : vector<1024x768xf32>
    %swap3A = arith.constant 0 : index
    %swap3A_50 = arith.constant 0 : index
    %swap3A_51 = arith.constant 0 : index
    %swap3A_52 = vector.load %arg9[%swap3A, %swap3A_50, %swap3A_51] : memref<1x1024x768xf32, #tpu.memory_space<vmem>>, vector<1x1024x768xf32>
    %swap3A_53 = vector.shape_cast %swap3A_52 : vector<1x1024x768xf32> to vector<1024x768xf32>
    %swap3A_54 = vector.shape_cast %add3A_49 : vector<1024x768xf32> to vector<1x1024x768xf32>
    tpu.vector_store %arg9[%swap3A, %swap3A_50, %swap3A_51], %swap3A_54 {strides = array<i32>} : memref<1x1024x768xf32, #tpu.memory_space<vmem>>, vector<1x1024x768xf32>,
    return
  }
  func.func @transform_0(%arg0: i32, %arg1: i32) -> (i32, i32, i32) {
    %c0_i32 = arith.constant 0 : i32
    %c0_i32_0 = arith.constant 0 : i32
    %c0_i32_1 = arith.constant 0 : i32
    return %arg0, %c0_i32, %c0_i32_0 : i32, i32, i32
  }
  func.func @transform_1(%arg0: i32, %arg1: i32) -> (i32, i32, i32, i32) {
    %c0_i32 = arith.constant 0 : i32
    %c0_i32_0 = arith.constant 0 : i32
    %c0_i32_1 = arith.constant 0 : i32
    return %arg0, %c0_i32, %c0_i32_0, %arg1 : i32, i32, i32, i32
  }
  func.func @transform_2(%arg0: i32, %arg1: i32) -> (i32, i32, i32, i32) {
    %c0_i32 = arith.constant 0 : i32
    %c0_i32_0 = arith.constant 0 : i32
    %c0_i32_1 = arith.constant 0 : i32
    return %arg0, %c0_i32, %c0_i32_0, %arg1 : i32, i32, i32, i32
  }
  func.func @transform_3(%arg0: i32, %arg1: i32) -> (i32, i32, i32, i32) {
    %c0_i32 = arith.constant 0 : i32
    %c0_i32_0 = arith.constant 0 : i32
    %c0_i32_1 = arith.constant 0 : i32
    return %arg0, %c0_i32, %arg1, %c0_i32_0 : i32, i32, i32, i32
  }
  func.func @transform_4(%arg0: i32, %arg1: i32) -> (i32, i32, i32, i32) {
    %c0_i32 = arith.constant 0 : i32
    %c0_i32_0 = arith.constant 0 : i32
    %c0_i32_1 = arith.constant 0 : i32
    %c0_i32_2 = arith.constant 0 : i32
    return %arg0, %c0_i32, %c0_i32_0, %c0_i32_1 : i32, i32, i32, i32
  }
  func.func @transform_5(%arg0: i32, %arg1: i32) -> (i32, i32, i32, i32) {
    %c0_i32 = arith.constant 0 : i32
    %c0_i32_0 = arith.constant 0 : i32
    %c0_i32_1 = arith.constant 0 : i32
    %c0_i32_2 = arith.constant 0 : i32
    return %arg0, %c0_i32, %c0_i32_0, %c0_i32_1 : i32, i32, i32, i32
  }
  func.func @transform_6(%arg0: i32, %arg1: i32) -> (i32, i32, i32, i32) {
    %c0_i32 = arith.constant 0 : i32
    %c0_i32_0 = arith.constant 0 : i32
    %c0_i32_1 = arith.constant 0 : i32
    %c0_i32_2 = arith.constant 0 : i32
    return %arg0, %c0_i32, %c0_i32_0, %c0_i32_1 : i32, i32, i32, i32
  }
  func.func @transform_7(%arg0: i32, %arg1: i32) -> (i32, i32, i32) {
    %c0_i32 = arith.constant 0 : i32
    %c0_i32_0 = arith.constant 0 : i32
    %c0_i32_1 = arith.constant 0 : i32
    return %arg0, %c0_i32, %c0_i32_0 : i32, i32, i32
  }
}

module attributes {stable_mosaic.version = 14 : i64} {
  func.func @body(%arg0: i32, %arg1: i32, %arg2: memref<1x1024x768xf32, #tpu.memory_space<vmem>>, %arg3: memref<1x1x1x768x768xf32, #tpu.memory_space<vmem>>, %arg4: memref<1x1x1x768xf32, #tpu.memory_space<vmem>>, %arg5: memref<1x1x1x768xf32, #tpu.memory_space<vmem>>, %arg6: memref<1x1x1024x768xf32, #tpu.memory_space<vmem>>, %arg7: memref<1024x768xf32, #tpu.memory_space<vmem>>) attributes {dimension_semantics = [#tpu.dimension_semantics<arbitrary>, #tpu.dimension_semantics<arbitrary>], iteration_bounds = array<i64: 8, 3>, scalar_prefetch = 0 : i64, scratch_operands = 1 : i64, tpu.core_type = #tpu.core_type<tc>, window_params = [{transform_indices = @transform_0, window_bounds = array<i64: 1, 1024, 768>}, {transform_indices = @transform_1, window_bounds = array<i64: 1, 1, 1, 768, 768>}, {transform_indices = @transform_2, window_bounds = array<i64: 1, 1, 1, 768>}, {transform_indices = @transform_3, window_bounds = array<i64: 1, 1, 1, 768>}, {transform_indices = @transform_4, window_bounds = array<i64: 1, 1, 1024, 768>}]} {
    %eq3A = arith.constant 0 : i32
    %eq3A_0 = arith.cmpi eq, %arg1, %eq3A : i32
    %convert_element_type3A = arith.extui %eq3A_0 : i1 to i32
    %cond3A = arith.constant 0 : i32
    %cond3A_1 = arith.cmpi ne, %convert_element_type3A, %cond3A : i32
    scf.if %cond3A_1 {
      %get3A_20 = arith.constant 0 : index
      %get3A_21 = arith.constant 0 : index
      %get3A_22 = arith.constant 0 : index
      %get3A_23 = vector.load %arg2[%get3A_20, %get3A_21, %get3A_22] : memref<1x1024x768xf32, #tpu.memory_space<vmem>>, vector<1x1024x768xf32>
      %get3A_24 = vector.shape_cast %get3A_23 : vector<1x1024x768xf32> to vector<1024x768xf32>
      %get3A_25 = arith.constant 0 : index
      %get3A_26 = arith.constant 0 : index
      %get3A_27 = arith.constant 0 : index
      %get3A_28 = arith.constant 0 : index
      %get3A_29 = vector.load %arg4[%get3A_25, %get3A_26, %get3A_27, %get3A_28] : memref<1x1x1x768xf32, #tpu.memory_space<vmem>>, vector<1x1x1x768xf32>
      %get3A_30 = vector.shape_cast %get3A_29 : vector<1x1x1x768xf32> to vector<768xf32>
      %get3A_31 = arith.constant 0 : index
      %get3A_32 = arith.constant 0 : index
      %get3A_33 = arith.constant 0 : index
      %get3A_34 = arith.constant 0 : index
      %get3A_35 = vector.load %arg5[%get3A_31, %get3A_32, %get3A_33, %get3A_34] : memref<1x1x1x768xf32, #tpu.memory_space<vmem>>, vector<1x1x1x768xf32>
      %get3A_36 = vector.shape_cast %get3A_35 : vector<1x1x1x768xf32> to vector<768xf32>
      %reduce_sum3A = arith.constant dense<0.000000e+00> : vector<1024xf32>
      %reduce_sum3A_37 = vector.multi_reduction <add>, %get3A_24, %reduce_sum3A [1] : vector<1024x768xf32> to vector<1024xf32>
      %broadcast_in_dim3A = vector.shape_cast %reduce_sum3A_37 : vector<1024xf32> to vector<1024x1xf32>
      %div3A = arith.constant 7.680000e+02 : f32
      %div3A_38 = vector.broadcast %div3A : f32 to vector<1024x1xf32>
      %div3A_39 = arith.divf %broadcast_in_dim3A, %div3A_38 : vector<1024x1xf32>
      %jit3A = arith.constant 0 : i32
      %reduce_sum3A_40 = arith.constant dense<0.000000e+00> : vector<1024xf32>
      %reduce_sum3A_41 = vector.multi_reduction <add>, %get3A_24, %reduce_sum3A_40 [1] : vector<1024x768xf32> to vector<1024xf32>
      %broadcast_in_dim3A_42 = vector.shape_cast %reduce_sum3A_41 : vector<1024xf32> to vector<1024x1xf32>
      %div3A_43 = arith.constant 7.680000e+02 : f32
      %div3A_44 = vector.broadcast %div3A_43 : f32 to vector<1024x1xf32>
      %div3A_45 = arith.divf %broadcast_in_dim3A_42, %div3A_44 : vector<1024x1xf32>
      %sub3A = vector.broadcast %div3A_45 : vector<1024x1xf32> to vector<1024x768xf32>
      %sub3A_46 = arith.subf %get3A_24, %sub3A : vector<1024x768xf32>
      %square3A = arith.mulf %sub3A_46, %sub3A_46 : vector<1024x768xf32>
      %convert_element_type3A_47 = arith.sitofp %jit3A : i32 to f32
      %sub3A_48 = arith.constant 7.680000e+02 : f32
      %sub3A_49 = arith.subf %sub3A_48, %convert_element_type3A_47 : f32
      %reduce_sum3A_50 = arith.constant dense<0.000000e+00> : vector<1024xf32>
      %reduce_sum3A_51 = vector.multi_reduction <add>, %square3A, %reduce_sum3A_50 [1] : vector<1024x768xf32> to vector<1024xf32>
      %broadcast_in_dim3A_52 = vector.shape_cast %reduce_sum3A_51 : vector<1024xf32> to vector<1024x1xf32>
      %div3A_53 = vector.broadcast %sub3A_49 : f32 to vector<1024x1xf32>
      %div3A_54 = arith.divf %broadcast_in_dim3A_52, %div3A_53 : vector<1024x1xf32>
      %gt3A = arith.constant 0.000000e+00 : f32
      %gt3A_55 = arith.cmpf ogt, %sub3A_49, %gt3A : f32
      %jit3A_56 = arith.constant 0x7FC00000 : f32
      %broadcast_in_dim3A_57 = vector.broadcast %jit3A_56 : f32 to vector<1024x1xf32>
      %select_n3A = arith.select %gt3A_55, %div3A_54, %broadcast_in_dim3A_57 : vector<1024x1xf32>
      %sub3A_58 = vector.broadcast %div3A_39 : vector<1024x1xf32> to vector<1024x768xf32>
      %sub3A_59 = arith.subf %get3A_24, %sub3A_58 : vector<1024x768xf32>
      %add3A = arith.constant 9.99999974E-6 : f32
      %add3A_60 = vector.broadcast %add3A : f32 to vector<1024x1xf32>
      %add3A_61 = arith.addf %select_n3A, %add3A_60 : vector<1024x1xf32>
      %sqrt3A = math.sqrt %add3A_61 : vector<1024x1xf32>
      %div3A_62 = vector.broadcast %sqrt3A : vector<1024x1xf32> to vector<1024x768xf32>
      %div3A_63 = arith.divf %sub3A_59, %div3A_62 : vector<1024x768xf32>
      %broadcast_in_dim3A_64 = vector.shape_cast %get3A_30 : vector<768xf32> to vector<1x768xf32>
      %mul3A = vector.broadcast %broadcast_in_dim3A_64 : vector<1x768xf32> to vector<1024x768xf32>
      %mul3A_65 = arith.mulf %div3A_63, %mul3A : vector<1024x768xf32>
      %broadcast_in_dim3A_66 = vector.shape_cast %get3A_36 : vector<768xf32> to vector<1x768xf32>
      %add3A_67 = vector.broadcast %broadcast_in_dim3A_66 : vector<1x768xf32> to vector<1024x768xf32>
      %add3A_68 = arith.addf %mul3A_65, %add3A_67 : vector<1024x768xf32>
      %swap3A_69 = arith.constant 0 : index
      %swap3A_70 = arith.constant 0 : index
      %swap3A_71 = vector.load %arg7[%swap3A_69, %swap3A_70] : memref<1024x768xf32, #tpu.memory_space<vmem>>, vector<1024x768xf32>
      tpu.vector_store %arg7[%swap3A_69, %swap3A_70], %add3A_68 {strides = array<i32>} : memref<1024x768xf32, #tpu.memory_space<vmem>>, vector<1024x768xf32>,
    } else {
    }
    %get3A = arith.constant 0 : index
    %get3A_2 = arith.constant 0 : index
    %get3A_3 = vector.load %arg7[%get3A, %get3A_2] : memref<1024x768xf32, #tpu.memory_space<vmem>>, vector<1024x768xf32>
    %get3A_4 = arith.constant 0 : index
    %get3A_5 = arith.constant 0 : index
    %get3A_6 = arith.constant 0 : index
    %get3A_7 = arith.constant 0 : index
    %get3A_8 = arith.constant 0 : index
    %get3A_9 = vector.load %arg3[%get3A_4, %get3A_5, %get3A_6, %get3A_7, %get3A_8] : memref<1x1x1x768x768xf32, #tpu.memory_space<vmem>>, vector<1x1x1x768x768xf32>
    %get3A_10 = vector.shape_cast %get3A_9 : vector<1x1x1x768x768xf32> to vector<768x768xf32>
    %convert_element_type3A_11 = arith.truncf %get3A_3 : vector<1024x768xf32> to vector<1024x768xbf16>
    %convert_element_type3A_12 = arith.truncf %get3A_10 : vector<768x768xf32> to vector<768x768xbf16>
    %dot_general3A = arith.constant dense<0.000000e+00> : vector<1024x768xf32>
    %dot_general3A_13 = tpu.matmul %convert_element_type3A_11, %convert_element_type3A_12, %dot_general3A {dimension_numbers = #tpu.dot_dimension_numbers<[1], [0], [0], [1], [0, 0, 1, 1], [], []>, transpose_lhs_hint = false} : vector<1024x768xbf16>, vector<768x768xbf16>, vector<1024x768xf32> -> vector<1024x768xf32>
    %swap3A = arith.constant 0 : index
    %swap3A_14 = arith.constant 0 : index
    %swap3A_15 = arith.constant 0 : index
    %swap3A_16 = arith.constant 0 : index
    %swap3A_17 = vector.load %arg6[%swap3A, %swap3A_14, %swap3A_15, %swap3A_16] : memref<1x1x1024x768xf32, #tpu.memory_space<vmem>>, vector<1x1x1024x768xf32>
    %swap3A_18 = vector.shape_cast %swap3A_17 : vector<1x1x1024x768xf32> to vector<1024x768xf32>
    %swap3A_19 = vector.shape_cast %dot_general3A_13 : vector<1024x768xf32> to vector<1x1x1024x768xf32>
    tpu.vector_store %arg6[%swap3A, %swap3A_14, %swap3A_15, %swap3A_16], %swap3A_19 {strides = array<i32>} : memref<1x1x1024x768xf32, #tpu.memory_space<vmem>>, vector<1x1x1024x768xf32>,
    return
  }
  func.func @transform_0(%arg0: i32, %arg1: i32) -> (i32, i32, i32) {
    %c0_i32 = arith.constant 0 : i32
    %c0_i32_0 = arith.constant 0 : i32
    %c0_i32_1 = arith.constant 0 : i32
    return %arg0, %c0_i32, %c0_i32_0 : i32, i32, i32
  }
  func.func @transform_1(%arg0: i32, %arg1: i32) -> (i32, i32, i32, i32, i32) {
    %c1_i32 = arith.constant 1 : i32
    %c0_i32 = arith.constant 0 : i32
    %c0_i32_0 = arith.constant 0 : i32
    %c0_i32_1 = arith.constant 0 : i32
    return %arg0, %c1_i32, %arg1, %c0_i32, %c0_i32_0 : i32, i32, i32, i32, i32
  }
  func.func @transform_2(%arg0: i32, %arg1: i32) -> (i32, i32, i32, i32) {
    %c1_i32 = arith.constant 1 : i32
    %c0_i32 = arith.constant 0 : i32
    %c0_i32_0 = arith.constant 0 : i32
    %c0_i32_1 = arith.constant 0 : i32
    return %arg0, %c1_i32, %c0_i32, %c0_i32_0 : i32, i32, i32, i32
  }
  func.func @transform_3(%arg0: i32, %arg1: i32) -> (i32, i32, i32, i32) {
    %c1_i32 = arith.constant 1 : i32
    %c0_i32 = arith.constant 0 : i32
    %c0_i32_0 = arith.constant 0 : i32
    %c0_i32_1 = arith.constant 0 : i32
    return %arg0, %c1_i32, %c0_i32, %c0_i32_0 : i32, i32, i32, i32
  }
  func.func @transform_4(%arg0: i32, %arg1: i32) -> (i32, i32, i32, i32) {
    %c0_i32 = arith.constant 0 : i32
    %c0_i32_0 = arith.constant 0 : i32
    %c0_i32_1 = arith.constant 0 : i32
    return %arg0, %arg1, %c0_i32, %c0_i32_0 : i32, i32, i32, i32
  }
}

module attributes {stable_mosaic.version = 14 : i64} {
  func.func @body(%arg0: i32, %arg1: i32, %arg2: memref<1x1024x768xf32, #tpu.memory_space<vmem>>, %arg3: memref<1x3x1024x128xf32, #tpu.memory_space<vmem>>, %arg4: memref<1x1x1x128x768xf32, #tpu.memory_space<vmem>>, %arg5: memref<1x1024x768xf32, #tpu.memory_space<vmem>>) attributes {dimension_semantics = [#tpu.dimension_semantics<arbitrary>, #tpu.dimension_semantics<arbitrary>], iteration_bounds = array<i64: 8, 6>, scalar_prefetch = 0 : i64, scratch_operands = 0 : i64, tpu.core_type = #tpu.core_type<tc>, window_params = [{transform_indices = @transform_0, window_bounds = array<i64: 1, 1024, 768>}, {transform_indices = @transform_1, window_bounds = array<i64: 1, 3, 1024, 128>}, {transform_indices = @transform_2, window_bounds = array<i64: 1, 1, 1, 128, 768>}, {transform_indices = @transform_3, window_bounds = array<i64: 1, 1024, 768>}]} {
    %iota3A = tpu.iota {dimensions = array<i32: 0>} : vector<1024x1024xi32>
    %iota3A_0 = tpu.iota {dimensions = array<i32: 1>} : vector<1024x1024xi32>
    %ge3A = arith.cmpi sge, %iota3A, %iota3A_0 : vector<1024x1024xi32>
    %eq3A = arith.constant 0 : i32
    %eq3A_1 = arith.cmpi eq, %arg1, %eq3A : i32
    %convert_element_type3A = arith.extui %eq3A_1 : i1 to i32
    %cond3A = arith.constant 0 : i32
    %cond3A_2 = arith.cmpi ne, %convert_element_type3A, %cond3A : i32
    scf.if %cond3A_2 {
      %get3A_106 = arith.constant 0 : index
      %get3A_107 = arith.constant 0 : index
      %get3A_108 = arith.constant 0 : index
      %get3A_109 = vector.load %arg2[%get3A_106, %get3A_107, %get3A_108] : memref<1x1024x768xf32, #tpu.memory_space<vmem>>, vector<1x1024x768xf32>
      %get3A_110 = vector.shape_cast %get3A_109 : vector<1x1024x768xf32> to vector<1024x768xf32>
      %swap3A_111 = arith.constant 0 : index
      %swap3A_112 = arith.constant 0 : index
      %swap3A_113 = arith.constant 0 : index
      %swap3A_114 = vector.load %arg5[%swap3A_111, %swap3A_112, %swap3A_113] : memref<1x1024x768xf32, #tpu.memory_space<vmem>>, vector<1x1024x768xf32>
      %swap3A_115 = vector.shape_cast %swap3A_114 : vector<1x1024x768xf32> to vector<1024x768xf32>
      %swap3A_116 = vector.shape_cast %get3A_110 : vector<1024x768xf32> to vector<1x1024x768xf32>
      tpu.vector_store %arg5[%swap3A_111, %swap3A_112, %swap3A_113], %swap3A_116 {strides = array<i32>} : memref<1x1024x768xf32, #tpu.memory_space<vmem>>, vector<1x1024x768xf32>,
    } else {
    }
    %get3A = arith.constant 0 : index
    %get3A_3 = arith.constant 0 : index
    %get3A_4 = arith.constant 0 : index
    %get3A_5 = arith.constant 0 : index
    %get3A_6 = vector.load %arg3[%get3A, %get3A_3, %get3A_4, %get3A_5] : memref<1x3x1024x128xf32, #tpu.memory_space<vmem>>, vector<1x1x1024x64xf32>
    %get3A_7 = vector.shape_cast %get3A_6 : vector<1x1x1024x64xf32> to vector<1024x64xf32>
    %get3A_8 = arith.constant 0 : index
    %get3A_9 = arith.constant 1 : index
    %get3A_10 = arith.constant 0 : index
    %get3A_11 = arith.constant 0 : index
    %get3A_12 = vector.load %arg3[%get3A_8, %get3A_9, %get3A_10, %get3A_11] : memref<1x3x1024x128xf32, #tpu.memory_space<vmem>>, vector<1x1x1024x64xf32>
    %get3A_13 = vector.shape_cast %get3A_12 : vector<1x1x1024x64xf32> to vector<1024x64xf32>
    %get3A_14 = arith.constant 0 : index
    %get3A_15 = arith.constant 2 : index
    %get3A_16 = arith.constant 0 : index
    %get3A_17 = arith.constant 0 : index
    %get3A_18 = vector.load %arg3[%get3A_14, %get3A_15, %get3A_16, %get3A_17] : memref<1x3x1024x128xf32, #tpu.memory_space<vmem>>, vector<1x1x1024x64xf32>
    %get3A_19 = vector.shape_cast %get3A_18 : vector<1x1x1024x64xf32> to vector<1024x64xf32>
    %convert_element_type3A_20 = arith.truncf %get3A_7 : vector<1024x64xf32> to vector<1024x64xbf16>
    %convert_element_type3A_21 = arith.truncf %get3A_13 : vector<1024x64xf32> to vector<1024x64xbf16>
    %dot_general3A = arith.constant dense<0.000000e+00> : vector<1024x1024xf32>
    %dot_general3A_22 = tpu.matmul %convert_element_type3A_20, %convert_element_type3A_21, %dot_general3A {dimension_numbers = #tpu.dot_dimension_numbers<[1], [1], [0], [0], [0, 0, 1, 0], [], []>, transpose_lhs_hint = false} : vector<1024x64xbf16>, vector<1024x64xbf16>, vector<1024x1024xf32> -> vector<1024x1024xf32>
    %sqrt3A = arith.constant 6.400000e+01 : f32
    %sqrt3A_23 = math.sqrt %sqrt3A : f32
    %div3A = vector.broadcast %sqrt3A_23 : f32 to vector<1024x1024xf32>
    %div3A_24 = arith.divf %dot_general3A_22, %div3A : vector<1024x1024xf32>
    %jit3A = arith.constant -1.000000e+09 : f32
    %broadcast_in_dim3A = vector.broadcast %jit3A : f32 to vector<1024x1024xf32>
    %select_n3A = arith.select %ge3A, %div3A_24, %broadcast_in_dim3A : vector<1024x1024xi1>, vector<1024x1024xf32>
    %reduce_max3A = arith.constant dense<0xFF800000> : vector<1024xf32>
    %reduce_max3A_25 = vector.multi_reduction <maximumf>, %select_n3A, %reduce_max3A [1] : vector<1024x1024xf32> to vector<1024xf32>
    %max3A = arith.constant 0xFF800000 : f32
    %max3A_26 = vector.broadcast %max3A : f32 to vector<1024xf32>
    %max3A_27 = arith.maximumf %max3A_26, %reduce_max3A_25 : vector<1024xf32>
    %broadcast_in_dim3A_28 = vector.shape_cast %max3A_27 : vector<1024xf32> to vector<1024x1xf32>
    %sub3A = vector.broadcast %broadcast_in_dim3A_28 : vector<1024x1xf32> to vector<1024x1024xf32>
    %sub3A_29 = arith.subf %select_n3A, %sub3A : vector<1024x1024xf32>
    %exp3A = math.exp %sub3A_29 : vector<1024x1024xf32>
    %reduce_sum3A = arith.constant dense<0.000000e+00> : vector<1024xf32>
    %reduce_sum3A_30 = vector.multi_reduction <add>, %exp3A, %reduce_sum3A [1] : vector<1024x1024xf32> to vector<1024xf32>
    %broadcast_in_dim3A_31 = vector.shape_cast %reduce_sum3A_30 : vector<1024xf32> to vector<1024x1xf32>
    %div3A_32 = vector.broadcast %broadcast_in_dim3A_31 : vector<1024x1xf32> to vector<1024x1024xf32>
    %div3A_33 = arith.divf %exp3A, %div3A_32 : vector<1024x1024xf32>
    %convert_element_type3A_34 = arith.truncf %div3A_33 : vector<1024x1024xf32> to vector<1024x1024xbf16>
    %convert_element_type3A_35 = arith.truncf %get3A_19 : vector<1024x64xf32> to vector<1024x64xbf16>
    %dot_general3A_36 = arith.constant dense<0.000000e+00> : vector<1024x64xf32>
    %dot_general3A_37 = tpu.matmul %convert_element_type3A_34, %convert_element_type3A_35, %dot_general3A_36 {dimension_numbers = #tpu.dot_dimension_numbers<[1], [0], [0], [1], [0, 0, 1, 1], [], []>, transpose_lhs_hint = false} : vector<1024x1024xbf16>, vector<1024x64xbf16>, vector<1024x64xf32> -> vector<1024x64xf32>
    %get3A_38 = arith.constant 0 : index
    %get3A_39 = arith.constant 0 : index
    %get3A_40 = arith.constant 0 : index
    %get3A_41 = arith.constant 64 : index
    %get3A_42 = vector.load %arg3[%get3A_38, %get3A_39, %get3A_40, %get3A_41] : memref<1x3x1024x128xf32, #tpu.memory_space<vmem>>, vector<1x1x1024x64xf32>
    %get3A_43 = vector.shape_cast %get3A_42 : vector<1x1x1024x64xf32> to vector<1024x64xf32>
    %get3A_44 = arith.constant 0 : index
    %get3A_45 = arith.constant 1 : index
    %get3A_46 = arith.constant 0 : index
    %get3A_47 = arith.constant 64 : index
    %get3A_48 = vector.load %arg3[%get3A_44, %get3A_45, %get3A_46, %get3A_47] : memref<1x3x1024x128xf32, #tpu.memory_space<vmem>>, vector<1x1x1024x64xf32>
    %get3A_49 = vector.shape_cast %get3A_48 : vector<1x1x1024x64xf32> to vector<1024x64xf32>
    %get3A_50 = arith.constant 0 : index
    %get3A_51 = arith.constant 2 : index
    %get3A_52 = arith.constant 0 : index
    %get3A_53 = arith.constant 64 : index
    %get3A_54 = vector.load %arg3[%get3A_50, %get3A_51, %get3A_52, %get3A_53] : memref<1x3x1024x128xf32, #tpu.memory_space<vmem>>, vector<1x1x1024x64xf32>
    %get3A_55 = vector.shape_cast %get3A_54 : vector<1x1x1024x64xf32> to vector<1024x64xf32>
    %convert_element_type3A_56 = arith.truncf %get3A_43 : vector<1024x64xf32> to vector<1024x64xbf16>
    %convert_element_type3A_57 = arith.truncf %get3A_49 : vector<1024x64xf32> to vector<1024x64xbf16>
    %dot_general3A_58 = arith.constant dense<0.000000e+00> : vector<1024x1024xf32>
    %dot_general3A_59 = tpu.matmul %convert_element_type3A_56, %convert_element_type3A_57, %dot_general3A_58 {dimension_numbers = #tpu.dot_dimension_numbers<[1], [1], [0], [0], [0, 0, 1, 0], [], []>, transpose_lhs_hint = false} : vector<1024x64xbf16>, vector<1024x64xbf16>, vector<1024x1024xf32> -> vector<1024x1024xf32>
    %sqrt3A_60 = arith.constant 6.400000e+01 : f32
    %sqrt3A_61 = math.sqrt %sqrt3A_60 : f32
    %div3A_62 = vector.broadcast %sqrt3A_61 : f32 to vector<1024x1024xf32>
    %div3A_63 = arith.divf %dot_general3A_59, %div3A_62 : vector<1024x1024xf32>
    %jit3A_64 = arith.constant -1.000000e+09 : f32
    %broadcast_in_dim3A_65 = vector.broadcast %jit3A_64 : f32 to vector<1024x1024xf32>
    %select_n3A_66 = arith.select %ge3A, %div3A_63, %broadcast_in_dim3A_65 : vector<1024x1024xi1>, vector<1024x1024xf32>
    %reduce_max3A_67 = arith.constant dense<0xFF800000> : vector<1024xf32>
    %reduce_max3A_68 = vector.multi_reduction <maximumf>, %select_n3A_66, %reduce_max3A_67 [1] : vector<1024x1024xf32> to vector<1024xf32>
    %max3A_69 = arith.constant 0xFF800000 : f32
    %max3A_70 = vector.broadcast %max3A_69 : f32 to vector<1024xf32>
    %max3A_71 = arith.maximumf %max3A_70, %reduce_max3A_68 : vector<1024xf32>
    %broadcast_in_dim3A_72 = vector.shape_cast %max3A_71 : vector<1024xf32> to vector<1024x1xf32>
    %sub3A_73 = vector.broadcast %broadcast_in_dim3A_72 : vector<1024x1xf32> to vector<1024x1024xf32>
    %sub3A_74 = arith.subf %select_n3A_66, %sub3A_73 : vector<1024x1024xf32>
    %exp3A_75 = math.exp %sub3A_74 : vector<1024x1024xf32>
    %reduce_sum3A_76 = arith.constant dense<0.000000e+00> : vector<1024xf32>
    %reduce_sum3A_77 = vector.multi_reduction <add>, %exp3A_75, %reduce_sum3A_76 [1] : vector<1024x1024xf32> to vector<1024xf32>
    %broadcast_in_dim3A_78 = vector.shape_cast %reduce_sum3A_77 : vector<1024xf32> to vector<1024x1xf32>
    %div3A_79 = vector.broadcast %broadcast_in_dim3A_78 : vector<1024x1xf32> to vector<1024x1024xf32>
    %div3A_80 = arith.divf %exp3A_75, %div3A_79 : vector<1024x1024xf32>
    %convert_element_type3A_81 = arith.truncf %div3A_80 : vector<1024x1024xf32> to vector<1024x1024xbf16>
    %convert_element_type3A_82 = arith.truncf %get3A_55 : vector<1024x64xf32> to vector<1024x64xbf16>
    %dot_general3A_83 = arith.constant dense<0.000000e+00> : vector<1024x64xf32>
    %dot_general3A_84 = tpu.matmul %convert_element_type3A_81, %convert_element_type3A_82, %dot_general3A_83 {dimension_numbers = #tpu.dot_dimension_numbers<[1], [0], [0], [1], [0, 0, 1, 1], [], []>, transpose_lhs_hint = false} : vector<1024x1024xbf16>, vector<1024x64xbf16>, vector<1024x64xf32> -> vector<1024x64xf32>
    %concatenate3A = tpu.concatenate %dot_general3A_37, %dot_general3A_84 in 1 : vector<1024x64xf32>, vector<1024x64xf32> -> vector<1024x128xf32>
    %get3A_85 = arith.constant 0 : index
    %get3A_86 = arith.constant 0 : index
    %get3A_87 = arith.constant 0 : index
    %get3A_88 = vector.load %arg5[%get3A_85, %get3A_86, %get3A_87] : memref<1x1024x768xf32, #tpu.memory_space<vmem>>, vector<1x1024x768xf32>
    %get3A_89 = vector.shape_cast %get3A_88 : vector<1x1024x768xf32> to vector<1024x768xf32>
    %get3A_90 = arith.constant 0 : index
    %get3A_91 = arith.constant 0 : index
    %get3A_92 = arith.constant 0 : index
    %get3A_93 = arith.constant 0 : index
    %get3A_94 = arith.constant 0 : index
    %get3A_95 = vector.load %arg4[%get3A_90, %get3A_91, %get3A_92, %get3A_93, %get3A_94] : memref<1x1x1x128x768xf32, #tpu.memory_space<vmem>>, vector<1x1x1x128x768xf32>
    %get3A_96 = vector.shape_cast %get3A_95 : vector<1x1x1x128x768xf32> to vector<128x768xf32>
    %convert_element_type3A_97 = arith.truncf %concatenate3A : vector<1024x128xf32> to vector<1024x128xbf16>
    %convert_element_type3A_98 = arith.truncf %get3A_96 : vector<128x768xf32> to vector<128x768xbf16>
    %dot_general3A_99 = arith.constant dense<0.000000e+00> : vector<1024x768xf32>
    %dot_general3A_100 = tpu.matmul %convert_element_type3A_97, %convert_element_type3A_98, %dot_general3A_99 {dimension_numbers = #tpu.dot_dimension_numbers<[1], [0], [0], [1], [0, 0, 1, 1], [], []>, transpose_lhs_hint = false} : vector<1024x128xbf16>, vector<128x768xbf16>, vector<1024x768xf32> -> vector<1024x768xf32>
    %add3A = arith.addf %get3A_89, %dot_general3A_100 : vector<1024x768xf32>
    %swap3A = arith.constant 0 : index
    %swap3A_101 = arith.constant 0 : index
    %swap3A_102 = arith.constant 0 : index
    %swap3A_103 = vector.load %arg5[%swap3A, %swap3A_101, %swap3A_102] : memref<1x1024x768xf32, #tpu.memory_space<vmem>>, vector<1x1024x768xf32>
    %swap3A_104 = vector.shape_cast %swap3A_103 : vector<1x1024x768xf32> to vector<1024x768xf32>
    %swap3A_105 = vector.shape_cast %add3A : vector<1024x768xf32> to vector<1x1024x768xf32>
    tpu.vector_store %arg5[%swap3A, %swap3A_101, %swap3A_102], %swap3A_105 {strides = array<i32>} : memref<1x1024x768xf32, #tpu.memory_space<vmem>>, vector<1x1024x768xf32>,
    return
  }
  func.func @transform_0(%arg0: i32, %arg1: i32) -> (i32, i32, i32) {
    %c0_i32 = arith.constant 0 : i32
    %c0_i32_0 = arith.constant 0 : i32
    %c0_i32_1 = arith.constant 0 : i32
    return %arg0, %c0_i32, %c0_i32_0 : i32, i32, i32
  }
  func.func @transform_1(%arg0: i32, %arg1: i32) -> (i32, i32, i32, i32) {
    %c0_i32 = arith.constant 0 : i32
    %c0_i32_0 = arith.constant 0 : i32
    %c0_i32_1 = arith.constant 0 : i32
    return %arg0, %c0_i32, %c0_i32_0, %arg1 : i32, i32, i32, i32
  }
  func.func @transform_2(%arg0: i32, %arg1: i32) -> (i32, i32, i32, i32, i32) {
    %c1_i32 = arith.constant 1 : i32
    %c0_i32 = arith.constant 0 : i32
    %c0_i32_0 = arith.constant 0 : i32
    %c0_i32_1 = arith.constant 0 : i32
    return %arg0, %c1_i32, %arg1, %c0_i32, %c0_i32_0 : i32, i32, i32, i32, i32
  }
  func.func @transform_3(%arg0: i32, %arg1: i32) -> (i32, i32, i32) {
    %c0_i32 = arith.constant 0 : i32
    %c0_i32_0 = arith.constant 0 : i32
    %c0_i32_1 = arith.constant 0 : i32
    return %arg0, %c0_i32, %c0_i32_0 : i32, i32, i32
  }
}

module attributes {stable_mosaic.version = 14 : i64} {
  func.func @body(%arg0: i32, %arg1: i32, %arg2: memref<1x1024x768xf32, #tpu.memory_space<vmem>>, %arg3: memref<1x1x768x768xf32, #tpu.memory_space<vmem>>, %arg4: memref<1x1x1x768xf32, #tpu.memory_space<vmem>>, %arg5: memref<1x1x768x768xf32, #tpu.memory_space<vmem>>, %arg6: memref<1x1x1x768xf32, #tpu.memory_space<vmem>>, %arg7: memref<1x1x1x768xf32, #tpu.memory_space<vmem>>, %arg8: memref<1x1x1x768xf32, #tpu.memory_space<vmem>>, %arg9: memref<1x1024x768xf32, #tpu.memory_space<vmem>>, %arg10: memref<1024x768xf32, #tpu.memory_space<vmem>>) attributes {dimension_semantics = [#tpu.dimension_semantics<arbitrary>, #tpu.dimension_semantics<arbitrary>], iteration_bounds = array<i64: 8, 4>, scalar_prefetch = 0 : i64, scratch_operands = 1 : i64, tpu.core_type = #tpu.core_type<tc>, window_params = [{transform_indices = @transform_0, window_bounds = array<i64: 1, 1024, 768>}, {transform_indices = @transform_1, window_bounds = array<i64: 1, 1, 768, 768>}, {transform_indices = @transform_2, window_bounds = array<i64: 1, 1, 1, 768>}, {transform_indices = @transform_3, window_bounds = array<i64: 1, 1, 768, 768>}, {transform_indices = @transform_4, window_bounds = array<i64: 1, 1, 1, 768>}, {transform_indices = @transform_5, window_bounds = array<i64: 1, 1, 1, 768>}, {transform_indices = @transform_6, window_bounds = array<i64: 1, 1, 1, 768>}, {transform_indices = @transform_7, window_bounds = array<i64: 1, 1024, 768>}]} {
    %eq3A = arith.constant 0 : i32
    %eq3A_0 = arith.cmpi eq, %arg1, %eq3A : i32
    %convert_element_type3A = arith.extui %eq3A_0 : i1 to i32
    %cond3A = arith.constant 0 : i32
    %cond3A_1 = arith.cmpi ne, %convert_element_type3A, %cond3A : i32
    scf.if %cond3A_1 {
      %get3A_55 = arith.constant 0 : index
      %get3A_56 = arith.constant 0 : index
      %get3A_57 = arith.constant 0 : index
      %get3A_58 = vector.load %arg2[%get3A_55, %get3A_56, %get3A_57] : memref<1x1024x768xf32, #tpu.memory_space<vmem>>, vector<1x1024x768xf32>
      %get3A_59 = vector.shape_cast %get3A_58 : vector<1x1024x768xf32> to vector<1024x768xf32>
      %get3A_60 = arith.constant 0 : index
      %get3A_61 = arith.constant 0 : index
      %get3A_62 = arith.constant 0 : index
      %get3A_63 = arith.constant 0 : index
      %get3A_64 = vector.load %arg7[%get3A_60, %get3A_61, %get3A_62, %get3A_63] : memref<1x1x1x768xf32, #tpu.memory_space<vmem>>, vector<1x1x1x768xf32>
      %get3A_65 = vector.shape_cast %get3A_64 : vector<1x1x1x768xf32> to vector<768xf32>
      %get3A_66 = arith.constant 0 : index
      %get3A_67 = arith.constant 0 : index
      %get3A_68 = arith.constant 0 : index
      %get3A_69 = arith.constant 0 : index
      %get3A_70 = vector.load %arg8[%get3A_66, %get3A_67, %get3A_68, %get3A_69] : memref<1x1x1x768xf32, #tpu.memory_space<vmem>>, vector<1x1x1x768xf32>
      %get3A_71 = vector.shape_cast %get3A_70 : vector<1x1x1x768xf32> to vector<768xf32>
      %reduce_sum3A = arith.constant dense<0.000000e+00> : vector<1024xf32>
      %reduce_sum3A_72 = vector.multi_reduction <add>, %get3A_59, %reduce_sum3A [1] : vector<1024x768xf32> to vector<1024xf32>
      %broadcast_in_dim3A_73 = vector.shape_cast %reduce_sum3A_72 : vector<1024xf32> to vector<1024x1xf32>
      %div3A = arith.constant 7.680000e+02 : f32
      %div3A_74 = vector.broadcast %div3A : f32 to vector<1024x1xf32>
      %div3A_75 = arith.divf %broadcast_in_dim3A_73, %div3A_74 : vector<1024x1xf32>
      %jit3A = arith.constant 0 : i32
      %reduce_sum3A_76 = arith.constant dense<0.000000e+00> : vector<1024xf32>
      %reduce_sum3A_77 = vector.multi_reduction <add>, %get3A_59, %reduce_sum3A_76 [1] : vector<1024x768xf32> to vector<1024xf32>
      %broadcast_in_dim3A_78 = vector.shape_cast %reduce_sum3A_77 : vector<1024xf32> to vector<1024x1xf32>
      %div3A_79 = arith.constant 7.680000e+02 : f32
      %div3A_80 = vector.broadcast %div3A_79 : f32 to vector<1024x1xf32>
      %div3A_81 = arith.divf %broadcast_in_dim3A_78, %div3A_80 : vector<1024x1xf32>
      %sub3A = vector.broadcast %div3A_81 : vector<1024x1xf32> to vector<1024x768xf32>
      %sub3A_82 = arith.subf %get3A_59, %sub3A : vector<1024x768xf32>
      %square3A = arith.mulf %sub3A_82, %sub3A_82 : vector<1024x768xf32>
      %convert_element_type3A_83 = arith.sitofp %jit3A : i32 to f32
      %sub3A_84 = arith.constant 7.680000e+02 : f32
      %sub3A_85 = arith.subf %sub3A_84, %convert_element_type3A_83 : f32
      %reduce_sum3A_86 = arith.constant dense<0.000000e+00> : vector<1024xf32>
      %reduce_sum3A_87 = vector.multi_reduction <add>, %square3A, %reduce_sum3A_86 [1] : vector<1024x768xf32> to vector<1024xf32>
      %broadcast_in_dim3A_88 = vector.shape_cast %reduce_sum3A_87 : vector<1024xf32> to vector<1024x1xf32>
      %div3A_89 = vector.broadcast %sub3A_85 : f32 to vector<1024x1xf32>
      %div3A_90 = arith.divf %broadcast_in_dim3A_88, %div3A_89 : vector<1024x1xf32>
      %gt3A = arith.constant 0.000000e+00 : f32
      %gt3A_91 = arith.cmpf ogt, %sub3A_85, %gt3A : f32
      %jit3A_92 = arith.constant 0x7FC00000 : f32
      %broadcast_in_dim3A_93 = vector.broadcast %jit3A_92 : f32 to vector<1024x1xf32>
      %select_n3A = arith.select %gt3A_91, %div3A_90, %broadcast_in_dim3A_93 : vector<1024x1xf32>
      %sub3A_94 = vector.broadcast %div3A_75 : vector<1024x1xf32> to vector<1024x768xf32>
      %sub3A_95 = arith.subf %get3A_59, %sub3A_94 : vector<1024x768xf32>
      %add3A_96 = arith.constant 9.99999974E-6 : f32
      %add3A_97 = vector.broadcast %add3A_96 : f32 to vector<1024x1xf32>
      %add3A_98 = arith.addf %select_n3A, %add3A_97 : vector<1024x1xf32>
      %sqrt3A = math.sqrt %add3A_98 : vector<1024x1xf32>
      %div3A_99 = vector.broadcast %sqrt3A : vector<1024x1xf32> to vector<1024x768xf32>
      %div3A_100 = arith.divf %sub3A_95, %div3A_99 : vector<1024x768xf32>
      %broadcast_in_dim3A_101 = vector.shape_cast %get3A_65 : vector<768xf32> to vector<1x768xf32>
      %mul3A_102 = vector.broadcast %broadcast_in_dim3A_101 : vector<1x768xf32> to vector<1024x768xf32>
      %mul3A_103 = arith.mulf %div3A_100, %mul3A_102 : vector<1024x768xf32>
      %broadcast_in_dim3A_104 = vector.shape_cast %get3A_71 : vector<768xf32> to vector<1x768xf32>
      %add3A_105 = vector.broadcast %broadcast_in_dim3A_104 : vector<1x768xf32> to vector<1024x768xf32>
      %add3A_106 = arith.addf %mul3A_103, %add3A_105 : vector<1024x768xf32>
      %swap3A_107 = arith.constant 0 : index
      %swap3A_108 = arith.constant 0 : index
      %swap3A_109 = vector.load %arg10[%swap3A_107, %swap3A_108] : memref<1024x768xf32, #tpu.memory_space<vmem>>, vector<1024x768xf32>
      tpu.vector_store %arg10[%swap3A_107, %swap3A_108], %add3A_106 {strides = array<i32>} : memref<1024x768xf32, #tpu.memory_space<vmem>>, vector<1024x768xf32>,
      %get3A_110 = arith.constant 0 : index
      %get3A_111 = arith.constant 0 : index
      %get3A_112 = arith.constant 0 : index
      %get3A_113 = vector.load %arg2[%get3A_110, %get3A_111, %get3A_112] : memref<1x1024x768xf32, #tpu.memory_space<vmem>>, vector<1x1024x768xf32>
      %get3A_114 = vector.shape_cast %get3A_113 : vector<1x1024x768xf32> to vector<1024x768xf32>
      %get3A_115 = arith.constant 0 : index
      %get3A_116 = arith.constant 0 : index
      %get3A_117 = arith.constant 0 : index
      %get3A_118 = arith.constant 0 : index
      %get3A_119 = vector.load %arg6[%get3A_115, %get3A_116, %get3A_117, %get3A_118] : memref<1x1x1x768xf32, #tpu.memory_space<vmem>>, vector<1x1x1x768xf32>
      %get3A_120 = vector.shape_cast %get3A_119 : vector<1x1x1x768xf32> to vector<768xf32>
      %broadcast_in_dim3A_121 = vector.shape_cast %get3A_120 : vector<768xf32> to vector<1x768xf32>
      %add3A_122 = vector.broadcast %broadcast_in_dim3A_121 : vector<1x768xf32> to vector<1024x768xf32>
      %add3A_123 = arith.addf %get3A_114, %add3A_122 : vector<1024x768xf32>
      %swap3A_124 = arith.constant 0 : index
      %swap3A_125 = arith.constant 0 : index
      %swap3A_126 = arith.constant 0 : index
      %swap3A_127 = vector.load %arg9[%swap3A_124, %swap3A_125, %swap3A_126] : memref<1x1024x768xf32, #tpu.memory_space<vmem>>, vector<1x1024x768xf32>
      %swap3A_128 = vector.shape_cast %swap3A_127 : vector<1x1024x768xf32> to vector<1024x768xf32>
      %swap3A_129 = vector.shape_cast %add3A_123 : vector<1024x768xf32> to vector<1x1024x768xf32>
      tpu.vector_store %arg9[%swap3A_124, %swap3A_125, %swap3A_126], %swap3A_129 {strides = array<i32>} : memref<1x1024x768xf32, #tpu.memory_space<vmem>>, vector<1x1024x768xf32>,
    } else {
    }
    %get3A = arith.constant 0 : index
    %get3A_2 = arith.constant 0 : index
    %get3A_3 = vector.load %arg10[%get3A, %get3A_2] : memref<1024x768xf32, #tpu.memory_space<vmem>>, vector<1024x768xf32>
    %get3A_4 = arith.constant 0 : index
    %get3A_5 = arith.constant 0 : index
    %get3A_6 = arith.constant 0 : index
    %get3A_7 = arith.constant 0 : index
    %get3A_8 = vector.load %arg3[%get3A_4, %get3A_5, %get3A_6, %get3A_7] : memref<1x1x768x768xf32, #tpu.memory_space<vmem>>, vector<1x1x768x768xf32>
    %get3A_9 = vector.shape_cast %get3A_8 : vector<1x1x768x768xf32> to vector<768x768xf32>
    %convert_element_type3A_10 = arith.truncf %get3A_3 : vector<1024x768xf32> to vector<1024x768xbf16>
    %convert_element_type3A_11 = arith.truncf %get3A_9 : vector<768x768xf32> to vector<768x768xbf16>
    %dot_general3A = arith.constant dense<0.000000e+00> : vector<1024x768xf32>
    %dot_general3A_12 = tpu.matmul %convert_element_type3A_10, %convert_element_type3A_11, %dot_general3A {dimension_numbers = #tpu.dot_dimension_numbers<[1], [0], [0], [1], [0, 0, 1, 1], [], []>, transpose_lhs_hint = false} : vector<1024x768xbf16>, vector<768x768xbf16>, vector<1024x768xf32> -> vector<1024x768xf32>
    %get3A_13 = arith.constant 0 : index
    %get3A_14 = arith.constant 0 : index
    %get3A_15 = arith.constant 0 : index
    %get3A_16 = arith.constant 0 : index
    %get3A_17 = vector.load %arg4[%get3A_13, %get3A_14, %get3A_15, %get3A_16] : memref<1x1x1x768xf32, #tpu.memory_space<vmem>>, vector<1x1x1x768xf32>
    %get3A_18 = vector.shape_cast %get3A_17 : vector<1x1x1x768xf32> to vector<768xf32>
    %broadcast_in_dim3A = vector.shape_cast %get3A_18 : vector<768xf32> to vector<1x768xf32>
    %add3A = vector.broadcast %broadcast_in_dim3A : vector<1x768xf32> to vector<1024x768xf32>
    %add3A_19 = arith.addf %dot_general3A_12, %add3A : vector<1024x768xf32>
    %integer_pow3A = arith.mulf %add3A_19, %add3A_19 : vector<1024x768xf32>
    %integer_pow3A_20 = arith.mulf %add3A_19, %integer_pow3A : vector<1024x768xf32>
    %mul3A = arith.constant 4.471500e-02 : f32
    %mul3A_21 = vector.broadcast %mul3A : f32 to vector<1024x768xf32>
    %mul3A_22 = arith.mulf %mul3A_21, %integer_pow3A_20 : vector<1024x768xf32>
    %add3A_23 = arith.addf %add3A_19, %mul3A_22 : vector<1024x768xf32>
    %mul3A_24 = arith.constant 0.797884583 : f32
    %mul3A_25 = vector.broadcast %mul3A_24 : f32 to vector<1024x768xf32>
    %mul3A_26 = arith.mulf %mul3A_25, %add3A_23 : vector<1024x768xf32>
    %tanh3A = math.tanh %mul3A_26 : vector<1024x768xf32>
    %add3A_27 = arith.constant 1.000000e+00 : f32
    %add3A_28 = vector.broadcast %add3A_27 : f32 to vector<1024x768xf32>
    %add3A_29 = arith.addf %add3A_28, %tanh3A : vector<1024x768xf32>
    %mul3A_30 = arith.constant 5.000000e-01 : f32
    %mul3A_31 = vector.broadcast %mul3A_30 : f32 to vector<1024x768xf32>
    %mul3A_32 = arith.mulf %mul3A_31, %add3A_29 : vector<1024x768xf32>
    %mul3A_33 = arith.mulf %add3A_19, %mul3A_32 : vector<1024x768xf32>
    %get3A_34 = arith.constant 0 : index
    %get3A_35 = arith.constant 0 : index
    %get3A_36 = arith.constant 0 : index
    %get3A_37 = vector.load %arg9[%get3A_34, %get3A_35, %get3A_36] : memref<1x1024x768xf32, #tpu.memory_space<vmem>>, vector<1x1024x768xf32>
    %get3A_38 = vector.shape_cast %get3A_37 : vector<1x1024x768xf32> to vector<1024x768xf32>
    %get3A_39 = arith.constant 0 : index
    %get3A_40 = arith.constant 0 : index
    %get3A_41 = arith.constant 0 : index
    %get3A_42 = arith.constant 0 : index
    %get3A_43 = vector.load %arg5[%get3A_39, %get3A_40, %get3A_41, %get3A_42] : memref<1x1x768x768xf32, #tpu.memory_space<vmem>>, vector<1x1x768x768xf32>
    %get3A_44 = vector.shape_cast %get3A_43 : vector<1x1x768x768xf32> to vector<768x768xf32>
    %convert_element_type3A_45 = arith.truncf %mul3A_33 : vector<1024x768xf32> to vector<1024x768xbf16>
    %convert_element_type3A_46 = arith.truncf %get3A_44 : vector<768x768xf32> to vector<768x768xbf16>
    %dot_general3A_47 = arith.constant dense<0.000000e+00> : vector<1024x768xf32>
    %dot_general3A_48 = tpu.matmul %convert_element_type3A_45, %convert_element_type3A_46, %dot_general3A_47 {dimension_numbers = #tpu.dot_dimension_numbers<[1], [0], [0], [1], [0, 0, 1, 1], [], []>, transpose_lhs_hint = false} : vector<1024x768xbf16>, vector<768x768xbf16>, vector<1024x768xf32> -> vector<1024x768xf32>
    %add3A_49 = arith.addf %get3A_38, %dot_general3A_48 : vector<1024x768xf32>
    %swap3A = arith.constant 0 : index
    %swap3A_50 = arith.constant 0 : index
    %swap3A_51 = arith.constant 0 : index
    %swap3A_52 = vector.load %arg9[%swap3A, %swap3A_50, %swap3A_51] : memref<1x1024x768xf32, #tpu.memory_space<vmem>>, vector<1x1024x768xf32>
    %swap3A_53 = vector.shape_cast %swap3A_52 : vector<1x1024x768xf32> to vector<1024x768xf32>
    %swap3A_54 = vector.shape_cast %add3A_49 : vector<1024x768xf32> to vector<1x1024x768xf32>
    tpu.vector_store %arg9[%swap3A, %swap3A_50, %swap3A_51], %swap3A_54 {strides = array<i32>} : memref<1x1024x768xf32, #tpu.memory_space<vmem>>, vector<1x1024x768xf32>,
    return
  }
  func.func @transform_0(%arg0: i32, %arg1: i32) -> (i32, i32, i32) {
    %c0_i32 = arith.constant 0 : i32
    %c0_i32_0 = arith.constant 0 : i32
    %c0_i32_1 = arith.constant 0 : i32
    return %arg0, %c0_i32, %c0_i32_0 : i32, i32, i32
  }
  func.func @transform_1(%arg0: i32, %arg1: i32) -> (i32, i32, i32, i32) {
    %c1_i32 = arith.constant 1 : i32
    %c0_i32 = arith.constant 0 : i32
    %c0_i32_0 = arith.constant 0 : i32
    return %arg0, %c1_i32, %c0_i32, %arg1 : i32, i32, i32, i32
  }
  func.func @transform_2(%arg0: i32, %arg1: i32) -> (i32, i32, i32, i32) {
    %c1_i32 = arith.constant 1 : i32
    %c0_i32 = arith.constant 0 : i32
    %c0_i32_0 = arith.constant 0 : i32
    return %arg0, %c1_i32, %c0_i32, %arg1 : i32, i32, i32, i32
  }
  func.func @transform_3(%arg0: i32, %arg1: i32) -> (i32, i32, i32, i32) {
    %c1_i32 = arith.constant 1 : i32
    %c0_i32 = arith.constant 0 : i32
    %c0_i32_0 = arith.constant 0 : i32
    return %arg0, %c1_i32, %arg1, %c0_i32 : i32, i32, i32, i32
  }
  func.func @transform_4(%arg0: i32, %arg1: i32) -> (i32, i32, i32, i32) {
    %c1_i32 = arith.constant 1 : i32
    %c0_i32 = arith.constant 0 : i32
    %c0_i32_0 = arith.constant 0 : i32
    %c0_i32_1 = arith.constant 0 : i32
    return %arg0, %c1_i32, %c0_i32, %c0_i32_0 : i32, i32, i32, i32
  }
  func.func @transform_5(%arg0: i32, %arg1: i32) -> (i32, i32, i32, i32) {
    %c1_i32 = arith.constant 1 : i32
    %c0_i32 = arith.constant 0 : i32
    %c0_i32_0 = arith.constant 0 : i32
    %c0_i32_1 = arith.constant 0 : i32
    return %arg0, %c1_i32, %c0_i32, %c0_i32_0 : i32, i32, i32, i32
  }
  func.func @transform_6(%arg0: i32, %arg1: i32) -> (i32, i32, i32, i32) {
    %c1_i32 = arith.constant 1 : i32
    %c0_i32 = arith.constant 0 : i32
    %c0_i32_0 = arith.constant 0 : i32
    %c0_i32_1 = arith.constant 0 : i32
    return %arg0, %c1_i32, %c0_i32, %c0_i32_0 : i32, i32, i32, i32
  }
  func.func @transform_7(%arg0: i32, %arg1: i32) -> (i32, i32, i32) {
    %c0_i32 = arith.constant 0 : i32
    %c0_i32_0 = arith.constant 0 : i32
    %c0_i32_1 = arith.constant 0 : i32
    return %arg0, %c0_i32, %c0_i32_0 : i32, i32, i32
  }
}

module attributes {stable_mosaic.version = 14 : i64} {
  func.func @body(%arg0: i32, %arg1: memref<1x1024x768xf32, #tpu.memory_space<vmem>>, %arg2: memref<1x1x768xf32, #tpu.memory_space<vmem>>, %arg3: memref<1x1x768xf32, #tpu.memory_space<vmem>>, %arg4: memref<1x768x11xf32, #tpu.memory_space<vmem>>, %arg5: memref<1x1x11xf32, #tpu.memory_space<vmem>>, %arg6: memref<1024x10xf32, #tpu.memory_space<vmem>>, %arg7: memref<1x1024x1xf32, #tpu.memory_space<vmem>>, %arg8: memref<1024x1xi32, #tpu.memory_space<vmem>>, %arg9: memref<1024x1xf32, #tpu.memory_space<vmem>>, %arg10: memref<1024x10xf32, #tpu.memory_space<vmem>>, %arg11: memref<1024x1xi32, #tpu.memory_space<vmem>>) attributes {dimension_semantics = [#tpu.dimension_semantics<arbitrary>], iteration_bounds = array<i64: 8>, scalar_prefetch = 0 : i64, scratch_operands = 3 : i64, tpu.core_type = #tpu.core_type<tc>, window_params = [{transform_indices = @transform_0, window_bounds = array<i64: 1, 1024, 768>}, {transform_indices = @transform_1, window_bounds = array<i64: 1, 1, 768>}, {transform_indices = @transform_2, window_bounds = array<i64: 1, 1, 768>}, {transform_indices = @transform_3, window_bounds = array<i64: 1, 768, 11>}, {transform_indices = @transform_4, window_bounds = array<i64: 1, 1, 11>}, {pipeline_mode = #tpu.pipeline_mode<synchronous>, transform_indices = @transform_5, window_bounds = array<i64: 1024, 10>}, {transform_indices = @transform_6, window_bounds = array<i64: 1, 1024, 1>}, {pipeline_mode = #tpu.pipeline_mode<synchronous>, transform_indices = @transform_7, window_bounds = array<i64: 1024, 1>}]} {
    %get3A = arith.constant 0 : index
    %get3A_0 = arith.constant 0 : index
    %get3A_1 = arith.constant 0 : index
    %get3A_2 = vector.load %arg1[%get3A, %get3A_0, %get3A_1] : memref<1x1024x768xf32, #tpu.memory_space<vmem>>, vector<1x1024x768xf32>
    %get3A_3 = vector.shape_cast %get3A_2 : vector<1x1024x768xf32> to vector<1024x768xf32>
    %get3A_4 = arith.constant 0 : index
    %get3A_5 = arith.constant 0 : index
    %get3A_6 = arith.constant 0 : index
    %get3A_7 = vector.load %arg2[%get3A_4, %get3A_5, %get3A_6] : memref<1x1x768xf32, #tpu.memory_space<vmem>>, vector<1x1x768xf32>
    %get3A_8 = vector.shape_cast %get3A_7 : vector<1x1x768xf32> to vector<768xf32>
    %get3A_9 = arith.constant 0 : index
    %get3A_10 = arith.constant 0 : index
    %get3A_11 = arith.constant 0 : index
    %get3A_12 = vector.load %arg3[%get3A_9, %get3A_10, %get3A_11] : memref<1x1x768xf32, #tpu.memory_space<vmem>>, vector<1x1x768xf32>
    %get3A_13 = vector.shape_cast %get3A_12 : vector<1x1x768xf32> to vector<768xf32>
    %reduce_sum3A = arith.constant dense<0.000000e+00> : vector<1024xf32>
    %reduce_sum3A_14 = vector.multi_reduction <add>, %get3A_3, %reduce_sum3A [1] : vector<1024x768xf32> to vector<1024xf32>
    %broadcast_in_dim3A = vector.shape_cast %reduce_sum3A_14 : vector<1024xf32> to vector<1024x1xf32>
    %div3A = arith.constant 7.680000e+02 : f32
    %div3A_15 = vector.broadcast %div3A : f32 to vector<1024x1xf32>
    %div3A_16 = arith.divf %broadcast_in_dim3A, %div3A_15 : vector<1024x1xf32>
    %jit3A = arith.constant 0 : i32
    %reduce_sum3A_17 = arith.constant dense<0.000000e+00> : vector<1024xf32>
    %reduce_sum3A_18 = vector.multi_reduction <add>, %get3A_3, %reduce_sum3A_17 [1] : vector<1024x768xf32> to vector<1024xf32>
    %broadcast_in_dim3A_19 = vector.shape_cast %reduce_sum3A_18 : vector<1024xf32> to vector<1024x1xf32>
    %div3A_20 = arith.constant 7.680000e+02 : f32
    %div3A_21 = vector.broadcast %div3A_20 : f32 to vector<1024x1xf32>
    %div3A_22 = arith.divf %broadcast_in_dim3A_19, %div3A_21 : vector<1024x1xf32>
    %sub3A = vector.broadcast %div3A_22 : vector<1024x1xf32> to vector<1024x768xf32>
    %sub3A_23 = arith.subf %get3A_3, %sub3A : vector<1024x768xf32>
    %square3A = arith.mulf %sub3A_23, %sub3A_23 : vector<1024x768xf32>
    %convert_element_type3A = arith.sitofp %jit3A : i32 to f32
    %sub3A_24 = arith.constant 7.680000e+02 : f32
    %sub3A_25 = arith.subf %sub3A_24, %convert_element_type3A : f32
    %reduce_sum3A_26 = arith.constant dense<0.000000e+00> : vector<1024xf32>
    %reduce_sum3A_27 = vector.multi_reduction <add>, %square3A, %reduce_sum3A_26 [1] : vector<1024x768xf32> to vector<1024xf32>
    %broadcast_in_dim3A_28 = vector.shape_cast %reduce_sum3A_27 : vector<1024xf32> to vector<1024x1xf32>
    %div3A_29 = vector.broadcast %sub3A_25 : f32 to vector<1024x1xf32>
    %div3A_30 = arith.divf %broadcast_in_dim3A_28, %div3A_29 : vector<1024x1xf32>
    %gt3A = arith.constant 0.000000e+00 : f32
    %gt3A_31 = arith.cmpf ogt, %sub3A_25, %gt3A : f32
    %jit3A_32 = arith.constant 0x7FC00000 : f32
    %broadcast_in_dim3A_33 = vector.broadcast %jit3A_32 : f32 to vector<1024x1xf32>
    %select_n3A = arith.select %gt3A_31, %div3A_30, %broadcast_in_dim3A_33 : vector<1024x1xf32>
    %sub3A_34 = vector.broadcast %div3A_16 : vector<1024x1xf32> to vector<1024x768xf32>
    %sub3A_35 = arith.subf %get3A_3, %sub3A_34 : vector<1024x768xf32>
    %add3A = arith.constant 9.99999974E-6 : f32
    %add3A_36 = vector.broadcast %add3A : f32 to vector<1024x1xf32>
    %add3A_37 = arith.addf %select_n3A, %add3A_36 : vector<1024x1xf32>
    %sqrt3A = math.sqrt %add3A_37 : vector<1024x1xf32>
    %div3A_38 = vector.broadcast %sqrt3A : vector<1024x1xf32> to vector<1024x768xf32>
    %div3A_39 = arith.divf %sub3A_35, %div3A_38 : vector<1024x768xf32>
    %broadcast_in_dim3A_40 = vector.shape_cast %get3A_8 : vector<768xf32> to vector<1x768xf32>
    %mul3A = vector.broadcast %broadcast_in_dim3A_40 : vector<1x768xf32> to vector<1024x768xf32>
    %mul3A_41 = arith.mulf %div3A_39, %mul3A : vector<1024x768xf32>
    %broadcast_in_dim3A_42 = vector.shape_cast %get3A_13 : vector<768xf32> to vector<1x768xf32>
    %add3A_43 = vector.broadcast %broadcast_in_dim3A_42 : vector<1x768xf32> to vector<1024x768xf32>
    %add3A_44 = arith.addf %mul3A_41, %add3A_43 : vector<1024x768xf32>
    %get3A_45 = arith.constant 0 : index
    %get3A_46 = arith.constant 0 : index
    %get3A_47 = arith.constant 0 : index
    %get3A_48 = vector.load %arg4[%get3A_45, %get3A_46, %get3A_47] : memref<1x768x11xf32, #tpu.memory_space<vmem>>, vector<1x768x11xf32>
    %get3A_49 = vector.shape_cast %get3A_48 : vector<1x768x11xf32> to vector<768x11xf32>
    %convert_element_type3A_50 = arith.truncf %add3A_44 : vector<1024x768xf32> to vector<1024x768xbf16>
    %convert_element_type3A_51 = arith.truncf %get3A_49 : vector<768x11xf32> to vector<768x11xbf16>
    %dot_general3A = arith.constant dense<0.000000e+00> : vector<1024x11xf32>
    %dot_general3A_52 = tpu.matmul %convert_element_type3A_50, %convert_element_type3A_51, %dot_general3A {dimension_numbers = #tpu.dot_dimension_numbers<[1], [0], [0], [1], [0, 0, 1, 1], [], []>, transpose_lhs_hint = false} : vector<1024x768xbf16>, vector<768x11xbf16>, vector<1024x11xf32> -> vector<1024x11xf32>
    %get3A_53 = arith.constant 0 : index
    %get3A_54 = arith.constant 0 : index
    %get3A_55 = arith.constant 0 : index
    %get3A_56 = vector.load %arg5[%get3A_53, %get3A_54, %get3A_55] : memref<1x1x11xf32, #tpu.memory_space<vmem>>, vector<1x1x11xf32>
    %get3A_57 = vector.shape_cast %get3A_56 : vector<1x1x11xf32> to vector<11xf32>
    %broadcast_in_dim3A_58 = vector.shape_cast %get3A_57 : vector<11xf32> to vector<1x11xf32>
    %add3A_59 = vector.broadcast %broadcast_in_dim3A_58 : vector<1x11xf32> to vector<1024x11xf32>
    %add3A_60 = arith.addf %dot_general3A_52, %add3A_59 : vector<1024x11xf32>
    %slice3A = vector.extract_strided_slice %add3A_60 {offsets = [0, 0], sizes = [1024, 10], strides = [1, 1]} : vector<1024x11xf32> to vector<1024x10xf32>
    %slice3A_61 = vector.extract_strided_slice %add3A_60 {offsets = [0, 10], sizes = [1024, 1], strides = [1, 1]} : vector<1024x11xf32> to vector<1024x1xf32>
    %swap3A = arith.constant 0 : index
    %swap3A_62 = arith.constant 0 : index
    %swap3A_63 = arith.constant 0 : index
    %swap3A_64 = vector.load %arg7[%swap3A, %swap3A_62, %swap3A_63] : memref<1x1024x1xf32, #tpu.memory_space<vmem>>, vector<1x1024x1xf32>
    %swap3A_65 = vector.shape_cast %swap3A_64 : vector<1x1024x1xf32> to vector<1024x1xf32>
    %swap3A_66 = vector.shape_cast %slice3A_61 : vector<1024x1xf32> to vector<1x1024x1xf32>
    tpu.vector_store %arg7[%swap3A, %swap3A_62, %swap3A_63], %swap3A_66 {strides = array<i32>} : memref<1x1024x1xf32, #tpu.memory_space<vmem>>, vector<1x1024x1xf32>,
    %eq3A = arith.constant 0 : i32
    %eq3A_67 = arith.cmpi eq, %arg0, %eq3A : i32
    %convert_element_type3A_68 = arith.extui %eq3A_67 : i1 to i32
    %cond3A = arith.constant 0 : i32
    %cond3A_69 = arith.cmpi ne, %convert_element_type3A_68, %cond3A : i32
    scf.if %cond3A_69 {
      %swap3A_79 = arith.constant 0 : index
      %swap3A_80 = arith.constant 0 : index
      %swap3A_81 = vector.load %arg9[%swap3A_79, %swap3A_80] : memref<1024x1xf32, #tpu.memory_space<vmem>>, vector<1024x1xf32>
      tpu.vector_store %arg9[%swap3A_79, %swap3A_80], %slice3A_61 {strides = array<i32>} : memref<1024x1xf32, #tpu.memory_space<vmem>>, vector<1024x1xf32>,
      %swap3A_82 = arith.constant 0 : index
      %swap3A_83 = arith.constant 0 : index
      %swap3A_84 = vector.load %arg10[%swap3A_82, %swap3A_83] : memref<1024x10xf32, #tpu.memory_space<vmem>>, vector<1024x10xf32>
      tpu.vector_store %arg10[%swap3A_82, %swap3A_83], %slice3A {strides = array<i32>} : memref<1024x10xf32, #tpu.memory_space<vmem>>, vector<1024x10xf32>,
      %broadcast_in_dim3A_85 = arith.constant 0 : i32
      %broadcast_in_dim3A_86 = vector.broadcast %broadcast_in_dim3A_85 : i32 to vector<1024x1xi32>
      %swap3A_87 = arith.constant 0 : index
      %swap3A_88 = arith.constant 0 : index
      %swap3A_89 = vector.load %arg11[%swap3A_87, %swap3A_88] : memref<1024x1xi32, #tpu.memory_space<vmem>>, vector<1024x1xi32>
      tpu.vector_store %arg11[%swap3A_87, %swap3A_88], %broadcast_in_dim3A_86 {strides = array<i32>} : memref<1024x1xi32, #tpu.memory_space<vmem>>, vector<1024x1xi32>,
    } else {
    }
    %ne3A = arith.constant 0 : i32
    %ne3A_70 = arith.cmpi ne, %arg0, %ne3A : i32
    %convert_element_type3A_71 = arith.extui %ne3A_70 : i1 to i32
    %cond3A_72 = arith.constant 0 : i32
    %cond3A_73 = arith.cmpi ne, %convert_element_type3A_71, %cond3A_72 : i32
    scf.if %cond3A_73 {
      %get3A_79 = arith.constant 0 : index
      %get3A_80 = arith.constant 0 : index
      %get3A_81 = vector.load %arg9[%get3A_79, %get3A_80] : memref<1024x1xf32, #tpu.memory_space<vmem>>, vector<1024x1xf32>
      %gt3A_82 = arith.cmpf ogt, %slice3A_61, %get3A_81 : vector<1024x1xf32>
      %get3A_83 = arith.constant 0 : index
      %get3A_84 = arith.constant 0 : index
      %get3A_85 = vector.load %arg9[%get3A_83, %get3A_84] : memref<1024x1xf32, #tpu.memory_space<vmem>>, vector<1024x1xf32>
      %select_n3A_86 = arith.select %gt3A_82, %slice3A_61, %get3A_85 : vector<1024x1xi1>, vector<1024x1xf32>
      %swap3A_87 = arith.constant 0 : index
      %swap3A_88 = arith.constant 0 : index
      %swap3A_89 = vector.load %arg9[%swap3A_87, %swap3A_88] : memref<1024x1xf32, #tpu.memory_space<vmem>>, vector<1024x1xf32>
      tpu.vector_store %arg9[%swap3A_87, %swap3A_88], %select_n3A_86 {strides = array<i32>} : memref<1024x1xf32, #tpu.memory_space<vmem>>, vector<1024x1xf32>,
      %get3A_90 = arith.constant 0 : index
      %get3A_91 = arith.constant 0 : index
      %get3A_92 = vector.load %arg10[%get3A_90, %get3A_91] : memref<1024x10xf32, #tpu.memory_space<vmem>>, vector<1024x10xf32>
      %broadcast_in_dim3A_93 = vector.shape_cast %gt3A_82 : vector<1024x1xi1> to vector<1024x1xi1>
      %broadcast_in_dim3A_94 = vector.broadcast %broadcast_in_dim3A_93 : vector<1024x1xi1> to vector<1024x10xi1>
      %select_n3A_95 = arith.select %broadcast_in_dim3A_94, %slice3A, %get3A_92 : vector<1024x10xi1>, vector<1024x10xf32>
      %swap3A_96 = arith.constant 0 : index
      %swap3A_97 = arith.constant 0 : index
      %swap3A_98 = vector.load %arg10[%swap3A_96, %swap3A_97] : memref<1024x10xf32, #tpu.memory_space<vmem>>, vector<1024x10xf32>
      tpu.vector_store %arg10[%swap3A_96, %swap3A_97], %select_n3A_95 {strides = array<i32>} : memref<1024x10xf32, #tpu.memory_space<vmem>>, vector<1024x10xf32>,
      %get3A_99 = arith.constant 0 : index
      %get3A_100 = arith.constant 0 : index
      %get3A_101 = vector.load %arg11[%get3A_99, %get3A_100] : memref<1024x1xi32, #tpu.memory_space<vmem>>, vector<1024x1xi32>
      %broadcast_in_dim3A_102 = vector.broadcast %arg0 : i32 to vector<1024x1xi32>
      %select_n3A_103 = arith.select %gt3A_82, %broadcast_in_dim3A_102, %get3A_101 : vector<1024x1xi1>, vector<1024x1xi32>
      %swap3A_104 = arith.constant 0 : index
      %swap3A_105 = arith.constant 0 : index
      %swap3A_106 = vector.load %arg11[%swap3A_104, %swap3A_105] : memref<1024x1xi32, #tpu.memory_space<vmem>>, vector<1024x1xi32>
      tpu.vector_store %arg11[%swap3A_104, %swap3A_105], %select_n3A_103 {strides = array<i32>} : memref<1024x1xi32, #tpu.memory_space<vmem>>, vector<1024x1xi32>,
    } else {
    }
    %eq3A_74 = arith.constant 7 : i32
    %eq3A_75 = arith.cmpi eq, %arg0, %eq3A_74 : i32
    %convert_element_type3A_76 = arith.extui %eq3A_75 : i1 to i32
    %cond3A_77 = arith.constant 0 : i32
    %cond3A_78 = arith.cmpi ne, %convert_element_type3A_76, %cond3A_77 : i32
    scf.if %cond3A_78 {
      %get3A_79 = arith.constant 0 : index
      %get3A_80 = arith.constant 0 : index
      %get3A_81 = vector.load %arg10[%get3A_79, %get3A_80] : memref<1024x10xf32, #tpu.memory_space<vmem>>, vector<1024x10xf32>
      %swap3A_82 = arith.constant 0 : index
      %swap3A_83 = arith.constant 0 : index
      %swap3A_84 = vector.load %arg6[%swap3A_82, %swap3A_83] : memref<1024x10xf32, #tpu.memory_space<vmem>>, vector<1024x10xf32>
      tpu.vector_store %arg6[%swap3A_82, %swap3A_83], %get3A_81 {strides = array<i32>} : memref<1024x10xf32, #tpu.memory_space<vmem>>, vector<1024x10xf32>,
      %get3A_85 = arith.constant 0 : index
      %get3A_86 = arith.constant 0 : index
      %get3A_87 = vector.load %arg11[%get3A_85, %get3A_86] : memref<1024x1xi32, #tpu.memory_space<vmem>>, vector<1024x1xi32>
      %swap3A_88 = arith.constant 0 : index
      %swap3A_89 = arith.constant 0 : index
      %swap3A_90 = vector.load %arg8[%swap3A_88, %swap3A_89] : memref<1024x1xi32, #tpu.memory_space<vmem>>, vector<1024x1xi32>
      tpu.vector_store %arg8[%swap3A_88, %swap3A_89], %get3A_87 {strides = array<i32>} : memref<1024x1xi32, #tpu.memory_space<vmem>>, vector<1024x1xi32>,
    } else {
    }
    return
  }
  func.func @transform_0(%arg0: i32) -> (i32, i32, i32) {
    %c0_i32 = arith.constant 0 : i32
    %c0_i32_0 = arith.constant 0 : i32
    %c0_i32_1 = arith.constant 0 : i32
    return %arg0, %c0_i32, %c0_i32_0 : i32, i32, i32
  }
  func.func @transform_1(%arg0: i32) -> (i32, i32, i32) {
    %c0_i32 = arith.constant 0 : i32
    %c0_i32_0 = arith.constant 0 : i32
    %c0_i32_1 = arith.constant 0 : i32
    return %arg0, %c0_i32, %c0_i32_0 : i32, i32, i32
  }
  func.func @transform_2(%arg0: i32) -> (i32, i32, i32) {
    %c0_i32 = arith.constant 0 : i32
    %c0_i32_0 = arith.constant 0 : i32
    %c0_i32_1 = arith.constant 0 : i32
    return %arg0, %c0_i32, %c0_i32_0 : i32, i32, i32
  }
  func.func @transform_3(%arg0: i32) -> (i32, i32, i32) {
    %c0_i32 = arith.constant 0 : i32
    %c0_i32_0 = arith.constant 0 : i32
    %c0_i32_1 = arith.constant 0 : i32
    return %arg0, %c0_i32, %c0_i32_0 : i32, i32, i32
  }
  func.func @transform_4(%arg0: i32) -> (i32, i32, i32) {
    %c0_i32 = arith.constant 0 : i32
    %c0_i32_0 = arith.constant 0 : i32
    %c0_i32_1 = arith.constant 0 : i32
    return %arg0, %c0_i32, %c0_i32_0 : i32, i32, i32
  }
  func.func @transform_5(%arg0: i32) -> (i32, i32) {
    %c0_i32 = arith.constant 0 : i32
    %c0_i32_0 = arith.constant 0 : i32
    %c0_i32_1 = arith.constant 0 : i32
    return %c0_i32, %c0_i32_0 : i32, i32
  }
  func.func @transform_6(%arg0: i32) -> (i32, i32, i32) {
    %c0_i32 = arith.constant 0 : i32
    %c0_i32_0 = arith.constant 0 : i32
    %c0_i32_1 = arith.constant 0 : i32
    return %arg0, %c0_i32, %c0_i32_0 : i32, i32, i32
  }
  func.func @transform_7(%arg0: i32) -> (i32, i32) {
    %c0_i32 = arith.constant 0 : i32
    %c0_i32_0 = arith.constant 0 : i32
    %c0_i32_1 = arith.constant 0 : i32
    return %c0_i32, %c0_i32_0 : i32, i32
  }
}

</mosaic_0001>

<sc_bundles>
// kernel: kernel.11.cloned.1.call-start
scs
__scs_entry_jumppad:
0x0: {  	(pc) =	sbr.rel $0x88, $3  }
0x1: {  	(tag) =	ssettag $0x0;
	lr =	simm.s32 $0x1  }
0x2: {  	[smem:$0x3F8C] =	sst lr;
	_ =	strace $0xD0000000  }
0x3: {  	_ = 	snop  }
0x4: {  	_ = 	snop  }
0x5: {  	_ = 	snop  }
0x6: {  	_ = 	snop  }
0x7: {  	_ = 	snop  }
__scs_overlays_trampoline_lowered:
0x8: {  	[smem:$0x3F9B] =	sst s0  }
0x9: {  	[smem:$0x3F9C] =	sst s1  }
0xa: {  	[smem:$0x3F9D] =	sst s2  }
0xb: {  	[smem:$0x3F9E] =	sst s3  }
0xc: {  	[smem:$0x3F9F] =	sst s4  }
0xd: {  	[smem:$0x3FA0] =	sst s5  }
0xe: {  	[smem:$0x3FA1] =	sst s6  }
0xf: {  	[smem:$0x3FA2] =	sst s7  }
0x10: {  	[smem:$0x3FA3] =	sst s8  }
0x11: {  	[smem:$0x3FA4] =	sst s9;
	s0 =	simm.s32 @!p0 $0x0  }
0x12: {  	s1 =	sld [smem:$0x3F8A];
	s0 =	simm.s32 @p0 $0x1  }
0x13: {  	[smem:$0x3FA5] =	sst s0;
	s0 =	simm.s32 @!p1 $0x0  }
0x14: {  	s2 =	sld [smem:$0x3F89];
	s0 =	simm.s32 @p1 $0x1  }
0x15: {  	[smem:$0x3FA6] =	sst s0;
	s0 =	simm.s32 @!p2 $0x0  }
0x16: {  	s3 =	sld [smem:$0x3FDB];
	s0 =	simm.s32 @p2 $0x1  }
0x17: {  	s4 =	simm.s32 $0x1BF5;
	[smem:$0x3FA8] =	sst s0  }
0x18: {  	s0 =	sld [smem:$0x3F8B];
	_ =	swait.ge [sflag:s4], $0x0  }
0x19: {  	s7 =	sld [smem:$0x3F8C]  }
0x1a: {  	s8 =	sadd.s32 $0xFFFFE003, lr  }
0x1b: {  	s9 =	sadd.s32 $0xFFFFFEF7, lr;
	s5 =	simm.s32 $0xFFFFFFFF;
	p2 =	slt.u32 s8, $0xFFFFF086  }
0x1c: {  	p1 =	slt.u32 s9, $0xF7A;
	s5 =	simm.s32 @!p2 $0x0  }
0x1d: {  	s5 =	simm.s32 @p1 $0x1;
	p0 =	seq.s32 s7, s2  }
0x1e: {  	s7 =	smul.u32 @!p0 $0xF7A, s2;
	p2 =	seq.s32 @!p0 s5, $0x0  }
0x1f: {  	s9 =	smul.u32 $0xF7A, s1;
	s8 =	simm.s32 @!p0 $0x1BF5;
	p2 =	por !p2, p0  }
0x20: {  	[sflag:s8] =	ssyncset.s32 @!p0 $0xFFFFF086;
	s6 =	sadd.s32 @!p0 s3, s7;
	s7 =	simm.s32 @!p0 $0x108  }
0x21: {  	s3 =	sadd.s32 s3, s9;
	s6 =	sadd.s32 @!p0 $0x88, s6;
	s7 =	simm.s32 @p2 $0x1082  }
0x22: {  	[simem:s7], [sflag:s8] =	dma.local @!p0 [hbm:s6], $0xF7A  }
0x23: {  	s9 =	sor.u32 $0xD0000000, s2;
	s6 =	simm.s32 $0x108;
	_ =	swait.ge @!p0 [sflag:s8], $0x0  }
0x24: {  	s3 =	sadd.s32 $0x88, s3;
	s6 =	simm.s32 @!p1 $0x1082;
	[sflag:s4] =	ssyncset.s32 $0xFFFFF086  }
0x25: {  	[simem:s6], [sflag:s4] =	dma.local [hbm:s3], $0xF7A  }
0x26: {  	[smem:$0x3F8C] =	sst s1;
	(tag) =	ssettag s2;
	_ =	strace s9  }
0x27: {  	s1 =	sld [smem:$0x3F9C]  }
0x28: {  	s2 =	sld [smem:$0x3F9D]  }
0x29: {  	s4 =	sld [smem:$0x3F9F]  }
0x2a: {  	p0 =	seq.s32 s5, $0x0;
	s5 =	sld [smem:$0x3FA0]  }
0x2b: {  	s6 =	sld [smem:$0x3FA1]  }
0x2c: {  	s7 =	sld [smem:$0x3FA2]  }
0x2d: {  	s3 =	simm.s32 $0x108;
	s8 =	sld [smem:$0x3FA3]  }
0x2e: {  	s3 =	simm.s32 @!p0 $0x1082;
	s9 =	sld [smem:$0x3FA4]  }
0x2f: {  	lr =	sadd.s32 s0, s3;
	s0 =	sld [smem:$0x3F9B]  }
0x30: {  	s3 =	sld [smem:$0x3F9E]  }
0x31: {  	[smem:$0x3FA7] =	sst s10  }
0x32: {  	s10 =	sld [smem:$0x3FA5];
	_ =	sdelay $0x3  }
0x33: {  	p0 =	seq.s32 s10, $0x1;
	s10 =	sld [smem:$0x3FA7];
	_ =	sdelay $0x3  }
0x34: {  	[smem:$0x3FA7] =	sst s10  }
0x35: {  	s10 =	sld [smem:$0x3FA6];
	_ =	sdelay $0x3  }
0x36: {  	p1 =	seq.s32 s10, $0x1;
	s10 =	sld [smem:$0x3FA7];
	_ =	sdelay $0x3  }
0x37: {  	[smem:$0x3FA7] =	sst s10  }
0x38: {  	s10 =	sld [smem:$0x3FA8]  }
0x39: {  	_ = 	snop;
	(pc) =	sbr.ind lr, $3  }
0x3a: {  	_ = 	snop  }
0x3b: {  	_ = 	snop  }
0x3c: {  	p2 =	seq.s32 s10, $0x1;
	s10 =	sld [smem:$0x3FA7]  }
0x3d: {  	_ =	shalt  }
0x3e: {  	_ =	shalt  }
0x3f: {  	_ =	shalt  }
0x40: {  	_ =	shalt  }
0x41: {  	_ =	shalt  }
0x42: {  	_ =	shalt  }
0x43: {  	_ =	shalt  }
0x44: {  	_ =	shalt  }
0x45: {  	_ =	shalt  }
0x46: {  	_ =	shalt  }
0x47: {  	_ =	shalt  }
0x48: {  	_ =	shalt  }
0x49: {  	_ =	shalt  }
0x4a: {  	_ =	shalt  }
0x4b: {  	_ =	shalt  }
0x4c: {  	_ =	shalt  }
0x4d: {  	_ =	shalt  }
0x4e: {  	_ =	shalt  }
0x4f: {  	_ =	shalt  }
0x50: {  	_ =	shalt  }
0x51: {  	_ =	shalt  }
0x52: {  	_ =	shalt  }
0x53: {  	_ =	shalt  }
0x54: {  	_ =	shalt  }
0x55: {  	_ =	shalt  }
0x56: {  	_ =	shalt  }
0x57: {  	_ =	shalt  }
0x58: {  	_ =	shalt  }
0x59: {  	_ =	shalt  }
0x5a: {  	_ =	shalt  }
0x5b: {  	_ =	shalt  }
0x5c: {  	_ =	shalt  }
0x5d: {  	_ =	shalt  }
0x5e: {  	_ =	shalt  }
0x5f: {  	_ =	shalt  }
0x60: {  	_ =	shalt  }
0x61: {  	_ =	shalt  }
0x62: {  	_ =	shalt  }
0x63: {  	_ =	shalt  }
0x64: {  	_ =	shalt  }
0x65: {  	_ =	shalt  }
0x66: {  	_ =	shalt  }
0x67: {  	_ =	shalt  }
0x68: {  	_ =	shalt  }
0x69: {  	_ =	shalt  }
0x6a: {  	_ =	shalt  }
0x6b: {  	_ =	shalt  }
0x6c: {  	_ =	shalt  }
0x6d: {  	_ =	shalt  }
0x6e: {  	_ =	shalt  }
0x6f: {  	_ =	shalt  }
0x70: {  	_ =	shalt  }
0x71: {  	_ =	shalt  }
0x72: {  	_ =	shalt  }
0x73: {  	_ =	shalt  }
0x74: {  	_ =	shalt  }
0x75: {  	_ =	shalt  }
0x76: {  	_ =	shalt  }
0x77: {  	_ =	shalt  }
0x78: {  	_ =	shalt  }
0x79: {  	_ =	shalt  }
0x7a: {  	_ =	shalt  }
0x7b: {  	_ =	shalt  }
0x7c: {  	_ =	shalt  }
0x7d: {  	_ =	shalt  }
0x7e: {  	_ =	shalt  }
0x7f: {  	_ =	shalt  }
0x80: {  	_ =	shalt  }
0x81: {  	_ =	shalt  }
0x82: {  	_ =	shalt  }
0x83: {  	_ =	shalt  }
0x84: {  	_ =	shalt  }
0x85: {  	_ =	shalt  }
0x86: {  	_ =	shalt  }
0x87: {  	_ =	shalt  }
.Lfunc_end0:
.L_simem_size_0:
called_computation_lowered:
.L_overlay_start_0:
0x88: {  	s2 =	sld [smem:$0x3FD9]  }
0x89: {  	s3 =	sld [smem:$0x3FFE];
	_ =	sdelay $0x1  }
0x8a: {  	s1 =	srdreg.scid  }
0x8b: {  	s0 =	sand.u32 $0x1, s1  }
0x8c: {  	s17 =	sshll.u32 s0, $0xA;
	s2 =	sadd.s32 s3, s2  }
0x8d: {  	s2 =	sadd.s32 s2, s17  }
0x8e: {  	[smem:$0x3FB3] =	sst s2  }
0x8f: {  	_ = 	snop  }
0x90: {  	s2 =	sld [smem:$0x3FC9]  }
0x91: {  	s18 =	sld [smem:$0x3FBC];
	(tm) =	ssettm $0x1  }
0x92: {  	s4 =	sld [smem:$0x3FFB];
	_ =	sdelay $0x3  }
0x93: {  	_ =	strace s4  }
0x94: {  	s4 =	sld [smem:$0x3FFC];
	_ =	sdelay $0x3  }
0x95: {  	_ =	strace s4  }
0x96: {  	s4 =	sld [smem:$0x3FFD];
	_ =	sdelay $0x3  }
0x97: {  	_ =	strace s4  }
0x98: {  	_ =	strace $0x8FFFFFFF  }
0x99: {  	s19 =	sld [smem:$0x3FDB];
	_ =	sdelay $0x1  }
0x9a: {  	s5 =	simm.s32 $_scs_section_size  }
0x9b: {  	s6 =	simm.s32 $_size__tile_overlayer_lowered;
	s7 =	simm.s32 $_tile_overlayer_lowered  }
0x9c: {  	s22 =	simm.s32 $0x1BFF;
	s21 =	sshll.u32 s7, $0x1;
	s4 =	sadd.s32 s5, s19  }
0x9d: {  	s8 =	simm.s32 $0x0;
	s20 =	sshll.u32 s6, $0x1;
	s6 =	sadd.s32 s21, s4  }
0x9e: {  	[timem:s8], [sflag:s22] =	dma.local [hbm:s6], s20  }
0x9f: {  	_ =	swait.ge [sflag:s22], s20  }
0xa0: {  	s5 =	ssub.s32 $0x0, s20;
	[sflag:s22] =	ssyncset.done $0x0  }
0xa1: {  	[sflag:s22] =	ssyncadd.s32 s5;
	_ =	sdelay $0x1  }
0xa2: {  	s23 =	simm.s32 $0x1B8B  }
0xa3: {  	_ =	swait.ge [sflag:s23], $0x1  }
0xa4: {  	[sflag:s23] =	ssyncset.done $0x0  }
0xa5: {  	s25 =	simm.s32 $0x1B8E;
	s24 =	sld [smem:$0x3FFE];
	[sflag:s23] =	ssyncadd.s32 $0xFFFFFFFF  }
0xa6: {  	s26 =	simm.s32 $execute0_lowered;
	[smem:$0x3FD2] =	sst s25  }
0xa7: {  	s6 =	sshll.u32 s26, $0x1;
	_ =	strace $0x80000046;
	[dreg:$0x1] =	wrdreg $0xFFFFFFFF  }
0xa8: {  	s28 =	simm.s32 $_size_execute0_lowered;
	s4 =	sadd.s32 s4, s6;
	[dreg:$0x0] =	wrdreg $0x0  }
0xa9: {  	s6 =	sshll.u32 s28, $0x1;
	[dreg:$0x2] =	wrdreg s4  }
0xaa: {  	[dreg:$0x3] =	wrdreg s6  }
0xab: {  	[dreg:$0x4] =	wrdreg $0xC0  }
0xac: {  	_ =	task [dreg:s8], $0x5FFFF  }
0xad: {  	[dreg:$0x1] =	wrdreg $0xFFFFFFFF  }
0xae: {  	[dreg:$0x0] =	wrdreg $0x60  }
0xaf: {  	[dreg:$0x2] =	wrdreg s18  }
0xb0: {  	[dreg:$0x3] =	wrdreg s2  }
0xb1: {  	[dreg:$0x4] =	wrdreg s24  }
0xb2: {  	[dreg:$0x5] =	wrdreg $0x9  }
0xb3: {  	_ =	task.clear_ibuf [dreg:s8], $0x6FFFF;
	_ =	strace $0x90000046  }
0xb4: {  	s29 =	simm.s32 $0x9;
	_ =	strace $0x80000048  }
0xb5: {  	_ =	swait.ge [sflag:s29], $0x1  }
0xb6: {  	[sflag:s29] =	ssyncadd.s32 $0xFFFFFFFF  }
0xb7: {  	_ =	strace $0x90000048  }
0xb8: {  	_ =	sfence  }
0xb9: {  	s30 =	sld [smem:$0x0];
	_ =	sdelay $0x2  }
0xba: {  	s31 =	sshll.u32 s1, $0xD;
	s1 =	sshrl.u32 s1, $0x2  }
0xbb: {  	s3 =	sand.u32 $0x4000, s31;
	s1 =	sadd.s32 s1, s30  }
0xbc: {  	s0 =	sor.u32 s3, s0;
	s1 =	sshll.u32 s1, $0x11  }
0xbd: {  	s0 =	sor.u32 s1, s0  }
0xbe: {  	s0 =	sadd.s32 $0x8F2B, s0  }
0xbf: {  	[sflag:s0] =	ssyncadd.remote.s32 $0x1  }
0xc0: {  	_ =	sfence.sel $0xFFFF  }
0xc1: {  	[dreg:$0x0] =	wrdreg $0xFFFFFFFF;
	(pc) =	sbr.abs _section_cstart, $3  }
0xc2: {  	[dreg:$0x1] =	wrdreg $0xFFFFFFFF  }
0xc3: {  	_ =	task.clear_ibuf [dreg:s8], $0x2FFFF;
	_ =	strace $0x9FFFFFFF  }
0xc4: {  	(tm) =	ssettm $0x7FFFFFFF  }
0xc5: {  	_ =	shalt  }
tec
execute0_lowered:
.L_overlay_start_1:
0x0: {  	(tag) =	ssettag $0x1  }
0x1: {  	s1 =	rddreg [dreg:$0x0]  }
0x2: {  	s0 =	rddreg [dreg:$0x1]  }
0x3: {  	s2 =	rddreg [dreg:$0x2]  }
0x4: {  	s3 =	srdreg.scid;
	s9 =	stileid.u32;
	s12 =	simm.s32 $0x880  }
0x5: {  	s13 =	simm.s32 $0x1080;
	s14 =	simm.s32 $0x2080;
	s15 =	simm.s32 $0x2880  }
0x6: {  	s16 =	simm.s32 $0x3080;
	s17 =	simm.s32 $0x3880;
	s18 =	simm.s32 $0x4080  }
0x7: {  	s19 =	simm.s32 $0x4880;
	s20 =	simm.s32 $0x5080;
	s28 =	simm.s32 $0x8880  }
0x8: {  	s29 =	simm.s32 $0x9080;
	s30 =	simm.s32 $0x9880;
	s31 =	simm.s32 $0xA080  }
0x9: {  	s4 =	sand.u32 $0x1, s3;
	s3 =	simm.s32 $0x0;
	s5 =	sshll.u32 s9, $0x6  }
0xa: {  	s2 =	sadd.s32 $0x2400, s2;
	s21 =	sshll.u32 s9, $0xC;
	s9 =	simm.s32 $0xB880  }
0xb: {  	s6 =	sshll.u32 s4, $0x5;
	[smem:$0x7FF] =	sst s3;
	s4 =	ssub.s32 $0x2, s4  }
0xc: {  	s10 =	sand.u32 $0xE000, s21;
	s21 =	simm.s32 $0x5880;
	s5 =	sor.u32 s6, s5  }
0xd: {  	_ =	strace $0x80000047;
	s7 =	sshrl.u32 s4, $0x1;
	s6 =	smul.u32 $0x300, s5  }
0xe: {  	v0 =	vmov s10;
	s10 =	simm.s32 $0x1;
	s8 =	smul.u32 $0x1800, s5;
	s5 =	sand.u32 $0x60, s5  }
0xf: {  	s4 =	ssub.s32 s4, s7;
	s22 =	sadd.s32 s0, s5;
	s5 =	sadd.s32 $0x100, s1  }
0x10: {  	s7 =	smax.u32 s4, $0x1;
	s0 =	simm.s32 $0x80;
	s23 =	sadd.s32 s2, s6  }
0x11: {  	s24 =	sshrl.u32 s8, $0x3;
	[dreg:$0x7] =	wrdreg s22;
	s25 =	sadd.s32 $0x10, s22  }
0x12: {  	s6 =	sadd.s32 $0x200, s1;
	s8 =	simm.s32 $0x2;
	[dreg:$0x4] =	wrdreg s23  }
0x13: {  	v3 =	vlaneseq.u32;
	s22 =	simm.s32 $0x6080;
	s2 =	sadd.s32 s2, s24;
	[dreg:$0x5] =	wrdreg s25  }
0x14: {  	vm0 =	vmmov $0xffff;
	v2 =	vshrl.u32 v3, $0x3;
	s23 =	simm.s32 $0x6880;
	s24 =	simm.s32 $0x7080;
	s26 =	sadd.s32 $0x3000, s2  }
0x15: {  	v1 =	vand.u32 $0x7, v3;
	v3 =	vor.u32 $0x8, v3;
	v2 =	vmul.u32 $0x8, v2;
	s25 =	simm.s32 $0x7880;
	[dreg:$0x6] =	wrdreg s26;
	s26 =	simm.s32 $0x8080  }
.LBB2_1:
0x16: {  	s11 =	rddreg [dreg:$0x7]  }
0x17: {  	[tilespmem:s3], [sflag:$0x2] =	stream.linear.gather [hbm4b:s11+s3], $0x80, $0x38;
	[tilespmem:$0x18080] =	vst v63  }
0x18: {  	_ =	swait.ge [sflag:s8], $0x80  }
0x19: {  	[sflag:s8] =	ssyncset.done $0x0  }
0x1a: {  	[sflag:s8] =	ssyncadd.s32 $0xFFFFFF80  }
0x1b: {  	v4 =	vld [tilespmem:$0x0];
	_ =	sdelay $0x3  }
0x1c: {  	v5 =	vld [tilespmem:$0x10]  }
0x1d: {  	v7 =	vld [tilespmem:$0x20];
	v6 =	vadd.s32 v0, v4  }
0x1e: {  	v8 =	vld [tilespmem:$0x30];
	v9 =	vshrl.u32 v6, $0x3  }
0x1f: {  	v10 =	vld [tilespmem:$0x40];
	v9 =	vmul.u32 $0x30, v9  }
0x20: {  	v11 =	vld [tilespmem:$0x50];
	v4 =	vand.u32 $0x7, v4  }
0x21: {  	v52 =	vld [tilespmem:$0x60];
	v5 =	vadd.s32 v0, v5;
	[tilespmem:$0x0] =	vst v6;
	v4 =	vor.u32 v4, v9  }
0x22: {  	v53 =	vld [tilespmem:$0x70];
	[tilespmem:$0x10] =	vst v5;
	v5 =	vadd.s32 v0, v7;
	v9 =	vperm.xlane v4, v1  }
0x23: {  	[tilespmem:$0x20] =	vst v5;
	v5 =	vadd.s32 v0, v8  }
0x24: {  	[tilespmem:$0x30] =	vst v5;
	v5 =	vadd.s32 v0, v10;
	v54 =	vadd.s32 v2, v9  }
0x25: {  	[tilespmem:$0x40] =	vst v5;
	v5 =	vadd.s32 v0, v11  }
0x26: {  	[tilespmem:$0x50] =	vst v5;
	v5 =	vadd.s32 v0, v52  }
0x27: {  	[tilespmem:$0x60] =	vst v5;
	v5 =	vadd.s32 v0, v53  }
0x28: {  	v4 =	vperm.xlane v4, v3;
	[tilespmem:$0x70] =	vst v5  }
0x29: {  	[tilespmem:s0], [sflag:$0x1] =	stream.indirect_vreg.gather [hbm4b:s1+s3], $0x80, v54, vm0, $0xb8;
	[tilespmem:$0x18080] =	vst v63  }
0x2a: {  	v4 =	vadd.s32 v2, v4  }
0x2b: {  	[tilespmem:s12], [sflag:$0x1] =	stream.indirect_vreg.gather [hbm4b:s5+s3], $0x80, v54, vm0, $0xb8;
	[tilespmem:$0x18080] =	vst v63  }
0x2c: {  	_ = 	snop  }
0x2d: {  	[tilespmem:s13], [sflag:$0x1] =	stream.indirect_vreg.gather [hbm4b:s6+s3], $0x80, v54, vm0, $0xb8;
	[tilespmem:$0x18080] =	vst v63  }
0x2e: {  	s4 =	simm.s32 $0x1880  }
0x2f: {  	[tilespmem:s4], [sflag:$0x1] =	stream.indirect_vreg.gather [hbm4b:s1+s3], $0x80, v4, vm0, $0xb8;
	[tilespmem:$0x18080] =	vst v63  }
0x30: {  	_ = 	snop  }
0x31: {  	[tilespmem:s14], [sflag:$0x1] =	stream.indirect_vreg.gather [hbm4b:s5+s3], $0x80, v4, vm0, $0xb8;
	[tilespmem:$0x18080] =	vst v63  }
0x32: {  	_ = 	snop  }
0x33: {  	[tilespmem:s15], [sflag:$0x1] =	stream.indirect_vreg.gather [hbm4b:s6+s3], $0x80, v4, vm0, $0xb8;
	[tilespmem:$0x18080] =	vst v63  }
0x34: {  	v4 =	vld [tilespmem:$0x10];
	_ =	sdelay $0x4  }
0x35: {  	v5 =	vshrl.u32 v4, $0x3  }
0x36: {  	v5 =	vmul.u32 $0x30, v5  }
0x37: {  	v4 =	vand.u32 $0x7, v4  }
0x38: {  	v4 =	vor.u32 v4, v5  }
0x39: {  	v5 =	vperm.xlane v4, v1;
	_ =	sdelay $0x1  }
0x3a: {  	v5 =	vadd.s32 v2, v5;
	_ =	sdelay $0x3  }
0x3b: {  	v4 =	vperm.xlane v4, v3  }
0x3c: {  	[tilespmem:s16], [sflag:$0x1] =	stream.indirect_vreg.gather [hbm4b:s1+s3], $0x80, v5, vm0, $0xb8;
	[tilespmem:$0x18080] =	vst v63  }
0x3d: {  	v4 =	vadd.s32 v2, v4  }
0x3e: {  	[tilespmem:s17], [sflag:$0x1] =	stream.indirect_vreg.gather [hbm4b:s5+s3], $0x80, v5, vm0, $0xb8;
	[tilespmem:$0x18080] =	vst v63  }
0x3f: {  	_ = 	snop  }
0x40: {  	[tilespmem:s18], [sflag:$0x1] =	stream.indirect_vreg.gather [hbm4b:s6+s3], $0x80, v5, vm0, $0xb8;
	[tilespmem:$0x18080] =	vst v63  }
0x41: {  	_ = 	snop  }
0x42: {  	[tilespmem:s19], [sflag:$0x1] =	stream.indirect_vreg.gather [hbm4b:s1+s3], $0x80, v4, vm0, $0xb8;
	[tilespmem:$0x18080] =	vst v63  }
0x43: {  	_ = 	snop  }
0x44: {  	[tilespmem:s20], [sflag:$0x1] =	stream.indirect_vreg.gather [hbm4b:s5+s3], $0x80, v4, vm0, $0xb8;
	[tilespmem:$0x18080] =	vst v63  }
0x45: {  	_ = 	snop  }
0x46: {  	[tilespmem:s21], [sflag:$0x1] =	stream.indirect_vreg.gather [hbm4b:s6+s3], $0x80, v4, vm0, $0xb8;
	[tilespmem:$0x18080] =	vst v63  }
0x47: {  	v4 =	vld [tilespmem:$0x20];
	_ =	sdelay $0x4  }
0x48: {  	v5 =	vshrl.u32 v4, $0x3  }
0x49: {  	v5 =	vmul.u32 $0x30, v5  }
0x4a: {  	v4 =	vand.u32 $0x7, v4  }
0x4b: {  	v4 =	vor.u32 v4, v5  }
0x4c: {  	v5 =	vperm.xlane v4, v1;
	_ =	sdelay $0x1  }
0x4d: {  	v5 =	vadd.s32 v2, v5;
	_ =	sdelay $0x3  }
0x4e: {  	v4 =	vperm.xlane v4, v3  }
0x4f: {  	[tilespmem:s22], [sflag:$0x1] =	stream.indirect_vreg.gather [hbm4b:s1+s3], $0x80, v5, vm0, $0xb8;
	[tilespmem:$0x18080] =	vst v63  }
0x50: {  	v4 =	vadd.s32 v2, v4  }
0x51: {  	[tilespmem:s23], [sflag:$0x1] =	stream.indirect_vreg.gather [hbm4b:s5+s3], $0x80, v5, vm0, $0xb8;
	[tilespmem:$0x18080] =	vst v63  }
0x52: {  	_ = 	snop  }
0x53: {  	[tilespmem:s24], [sflag:$0x1] =	stream.indirect_vreg.gather [hbm4b:s6+s3], $0x80, v5, vm0, $0xb8;
	[tilespmem:$0x18080] =	vst v63  }
0x54: {  	_ = 	snop  }
0x55: {  	[tilespmem:s25], [sflag:$0x1] =	stream.indirect_vreg.gather [hbm4b:s1+s3], $0x80, v4, vm0, $0xb8;
	[tilespmem:$0x18080] =	vst v63  }
0x56: {  	_ = 	snop  }
0x57: {  	[tilespmem:s26], [sflag:$0x1] =	stream.indirect_vreg.gather [hbm4b:s5+s3], $0x80, v4, vm0, $0xb8;
	[tilespmem:$0x18080] =	vst v63  }
0x58: {  	_ = 	snop  }
0x59: {  	[tilespmem:s28], [sflag:$0x1] =	stream.indirect_vreg.gather [hbm4b:s6+s3], $0x80, v4, vm0, $0xb8;
	[tilespmem:$0x18080] =	vst v63  }
0x5a: {  	v4 =	vld [tilespmem:$0x30];
	_ =	sdelay $0x4  }
0x5b: {  	v5 =	vshrl.u32 v4, $0x3  }
0x5c: {  	v5 =	vmul.u32 $0x30, v5  }
0x5d: {  	v4 =	vand.u32 $0x7, v4  }
0x5e: {  	v4 =	vor.u32 v4, v5  }
0x5f: {  	v5 =	vperm.xlane v4, v1;
	_ =	sdelay $0x1  }
0x60: {  	v5 =	vadd.s32 v2, v5;
	_ =	sdelay $0x3  }
0x61: {  	v4 =	vperm.xlane v4, v3  }
0x62: {  	[tilespmem:s29], [sflag:$0x1] =	stream.indirect_vreg.gather [hbm4b:s1+s3], $0x80, v5, vm0, $0xb8;
	[tilespmem:$0x18080] =	vst v63  }
0x63: {  	v4 =	vadd.s32 v2, v4  }
0x64: {  	[tilespmem:s30], [sflag:$0x1] =	stream.indirect_vreg.gather [hbm4b:s5+s3], $0x80, v5, vm0, $0xb8;
	[tilespmem:$0x18080] =	vst v63  }
0x65: {  	_ = 	snop  }
0x66: {  	[tilespmem:s31], [sflag:$0x1] =	stream.indirect_vreg.gather [hbm4b:s6+s3], $0x80, v5, vm0, $0xb8;
	[tilespmem:$0x18080] =	vst v63  }
0x67: {  	s2 =	simm.s32 $0xA880  }
0x68: {  	[tilespmem:s2], [sflag:$0x1] =	stream.indirect_vreg.gather [hbm4b:s1+s3], $0x80, v4, vm0, $0xb8;
	[tilespmem:$0x18080] =	vst v63  }
0x69: {  	s2 =	simm.s32 $0xB080  }
0x6a: {  	[tilespmem:s2], [sflag:$0x1] =	stream.indirect_vreg.gather [hbm4b:s5+s3], $0x80, v4, vm0, $0xb8;
	[tilespmem:$0x18080] =	vst v63  }
0x6b: {  	_ = 	snop  }
0x6c: {  	[tilespmem:s9], [sflag:$0x1] =	stream.indirect_vreg.gather [hbm4b:s6+s3], $0x80, v4, vm0, $0xb8;
	[tilespmem:$0x18080] =	vst v63  }
0x6d: {  	v4 =	vld [tilespmem:$0x40];
	_ =	sdelay $0x4  }
0x6e: {  	v5 =	vshrl.u32 v4, $0x3  }
0x6f: {  	v5 =	vmul.u32 $0x30, v5  }
0x70: {  	v4 =	vand.u32 $0x7, v4  }
0x71: {  	v4 =	vor.u32 v4, v5  }
0x72: {  	v5 =	vperm.xlane v4, v1;
	_ =	sdelay $0x1  }
0x73: {  	v5 =	vadd.s32 v2, v5;
	_ =	sdelay $0x3  }
0x74: {  	s11 =	simm.s32 $0xC080;
	v4 =	vperm.xlane v4, v3  }
0x75: {  	[tilespmem:s11], [sflag:$0x1] =	stream.indirect_vreg.gather [hbm4b:s1+s3], $0x80, v5, vm0, $0xb8;
	[tilespmem:$0x18080] =	vst v63  }
0x76: {  	v4 =	vadd.s32 v2, v4;
	s11 =	simm.s32 $0xC880  }
0x77: {  	[tilespmem:s11], [sflag:$0x1] =	stream.indirect_vreg.gather [hbm4b:s5+s3], $0x80, v5, vm0, $0xb8;
	[tilespmem:$0x18080] =	vst v63  }
0x78: {  	s11 =	simm.s32 $0xD080  }
0x79: {  	[tilespmem:s11], [sflag:$0x1] =	stream.indirect_vreg.gather [hbm4b:s6+s3], $0x80, v5, vm0, $0xb8;
	[tilespmem:$0x18080] =	vst v63  }
0x7a: {  	s11 =	simm.s32 $0xD880  }
0x7b: {  	[tilespmem:s11], [sflag:$0x1] =	stream.indirect_vreg.gather [hbm4b:s1+s3], $0x80, v4, vm0, $0xb8;
	[tilespmem:$0x18080] =	vst v63  }
0x7c: {  	s11 =	simm.s32 $0xE080  }
0x7d: {  	[tilespmem:s11], [sflag:$0x1] =	stream.indirect_vreg.gather [hbm4b:s5+s3], $0x80, v4, vm0, $0xb8;
	[tilespmem:$0x18080] =	vst v63  }
0x7e: {  	s11 =	simm.s32 $0xE880  }
0x7f: {  	[tilespmem:s11], [sflag:$0x1] =	stream.indirect_vreg.gather [hbm4b:s6+s3], $0x80, v4, vm0, $0xb8;
	[tilespmem:$0x18080] =	vst v63  }
0x80: {  	v4 =	vld [tilespmem:$0x50];
	_ =	sdelay $0x4  }
0x81: {  	v5 =	vshrl.u32 v4, $0x3  }
0x82: {  	v5 =	vmul.u32 $0x30, v5  }
0x83: {  	v4 =	vand.u32 $0x7, v4  }
0x84: {  	v4 =	vor.u32 v4, v5  }
0x85: {  	v5 =	vperm.xlane v4, v1;
	_ =	sdelay $0x1  }
0x86: {  	v5 =	vadd.s32 v2, v5;
	_ =	sdelay $0x3  }
0x87: {  	s11 =	simm.s32 $0xF080;
	v4 =	vperm.xlane v4, v3  }
0x88: {  	[tilespmem:s11], [sflag:$0x1] =	stream.indirect_vreg.gather [hbm4b:s1+s3], $0x80, v5, vm0, $0xb8;
	[tilespmem:$0x18080] =	vst v63  }
0x89: {  	v4 =	vadd.s32 v2, v4;
	s11 =	simm.s32 $0xF880  }
0x8a: {  	[tilespmem:s11], [sflag:$0x1] =	stream.indirect_vreg.gather [hbm4b:s5+s3], $0x80, v5, vm0, $0xb8;
	[tilespmem:$0x18080] =	vst v63  }
0x8b: {  	s11 =	simm.s32 $0x10080  }
0x8c: {  	[tilespmem:s11], [sflag:$0x1] =	stream.indirect_vreg.gather [hbm4b:s6+s3], $0x80, v5, vm0, $0xb8;
	[tilespmem:$0x18080] =	vst v63  }
0x8d: {  	s11 =	simm.s32 $0x10880  }
0x8e: {  	[tilespmem:s11], [sflag:$0x1] =	stream.indirect_vreg.gather [hbm4b:s1+s3], $0x80, v4, vm0, $0xb8;
	[tilespmem:$0x18080] =	vst v63  }
0x8f: {  	s11 =	simm.s32 $0x11080  }
0x90: {  	[tilespmem:s11], [sflag:$0x1] =	stream.indirect_vreg.gather [hbm4b:s5+s3], $0x80, v4, vm0, $0xb8;
	[tilespmem:$0x18080] =	vst v63  }
0x91: {  	s11 =	simm.s32 $0x11880  }
0x92: {  	[tilespmem:s11], [sflag:$0x1] =	stream.indirect_vreg.gather [hbm4b:s6+s3], $0x80, v4, vm0, $0xb8;
	[tilespmem:$0x18080] =	vst v63  }
0x93: {  	v4 =	vld [tilespmem:$0x60];
	_ =	sdelay $0x4  }
0x94: {  	v5 =	vshrl.u32 v4, $0x3  }
0x95: {  	v5 =	vmul.u32 $0x30, v5  }
0x96: {  	v4 =	vand.u32 $0x7, v4  }
0x97: {  	v4 =	vor.u32 v4, v5  }
0x98: {  	v5 =	vperm.xlane v4, v1;
	_ =	sdelay $0x1  }
0x99: {  	v5 =	vadd.s32 v2, v5;
	_ =	sdelay $0x3  }
0x9a: {  	s11 =	simm.s32 $0x12080;
	v4 =	vperm.xlane v4, v3  }
0x9b: {  	[tilespmem:s11], [sflag:$0x1] =	stream.indirect_vreg.gather [hbm4b:s1+s3], $0x80, v5, vm0, $0xb8;
	[tilespmem:$0x18080] =	vst v63  }
0x9c: {  	v4 =	vadd.s32 v2, v4;
	s11 =	simm.s32 $0x12880  }
0x9d: {  	[tilespmem:s11], [sflag:$0x1] =	stream.indirect_vreg.gather [hbm4b:s5+s3], $0x80, v5, vm0, $0xb8;
	[tilespmem:$0x18080] =	vst v63  }
0x9e: {  	s11 =	simm.s32 $0x13080  }
0x9f: {  	[tilespmem:s11], [sflag:$0x1] =	stream.indirect_vreg.gather [hbm4b:s6+s3], $0x80, v5, vm0, $0xb8;
	[tilespmem:$0x18080] =	vst v63  }
0xa0: {  	s11 =	simm.s32 $0x13880  }
0xa1: {  	[tilespmem:s11], [sflag:$0x1] =	stream.indirect_vreg.gather [hbm4b:s1+s3], $0x80, v4, vm0, $0xb8;
	[tilespmem:$0x18080] =	vst v63  }
0xa2: {  	s11 =	simm.s32 $0x14080  }
0xa3: {  	[tilespmem:s11], [sflag:$0x1] =	stream.indirect_vreg.gather [hbm4b:s5+s3], $0x80, v4, vm0, $0xb8;
	[tilespmem:$0x18080] =	vst v63  }
0xa4: {  	s11 =	simm.s32 $0x14880  }
0xa5: {  	[tilespmem:s11], [sflag:$0x1] =	stream.indirect_vreg.gather [hbm4b:s6+s3], $0x80, v4, vm0, $0xb8;
	[tilespmem:$0x18080] =	vst v63  }
0xa6: {  	v4 =	vld [tilespmem:$0x70];
	_ =	sdelay $0x4  }
0xa7: {  	v5 =	vshrl.u32 v4, $0x3  }
0xa8: {  	v5 =	vmul.u32 $0x30, v5  }
0xa9: {  	v4 =	vand.u32 $0x7, v4  }
0xaa: {  	v4 =	vor.u32 v4, v5  }
0xab: {  	v5 =	vperm.xlane v4, v1;
	_ =	sdelay $0x1  }
0xac: {  	v5 =	vadd.s32 v2, v5;
	_ =	sdelay $0x3  }
0xad: {  	s11 =	simm.s32 $0x15080;
	v4 =	vperm.xlane v4, v3  }
0xae: {  	[tilespmem:s11], [sflag:$0x1] =	stream.indirect_vreg.gather [hbm4b:s1+s3], $0x80, v5, vm0, $0xb8;
	[tilespmem:$0x18080] =	vst v63  }
0xaf: {  	v4 =	vadd.s32 v2, v4;
	s11 =	simm.s32 $0x15880  }
0xb0: {  	[tilespmem:s11], [sflag:$0x1] =	stream.indirect_vreg.gather [hbm4b:s5+s3], $0x80, v5, vm0, $0xb8;
	[tilespmem:$0x18080] =	vst v63  }
0xb1: {  	s11 =	simm.s32 $0x16080  }
0xb2: {  	[tilespmem:s11], [sflag:$0x1] =	stream.indirect_vreg.gather [hbm4b:s6+s3], $0x80, v5, vm0, $0xb8;
	[tilespmem:$0x18080] =	vst v63  }
0xb3: {  	s11 =	simm.s32 $0x16880  }
0xb4: {  	[tilespmem:s11], [sflag:$0x1] =	stream.indirect_vreg.gather [hbm4b:s1+s3], $0x80, v4, vm0, $0xb8;
	[tilespmem:$0x18080] =	vst v63  }
0xb5: {  	s11 =	simm.s32 $0x17080  }
0xb6: {  	[tilespmem:s11], [sflag:$0x1] =	stream.indirect_vreg.gather [hbm4b:s5+s3], $0x80, v4, vm0, $0xb8;
	[tilespmem:$0x18080] =	vst v63  }
0xb7: {  	s11 =	simm.s32 $0x17880  }
0xb8: {  	[tilespmem:s11], [sflag:$0x1] =	stream.indirect_vreg.gather [hbm4b:s6+s3], $0x80, v4, vm0, $0xb8;
	[tilespmem:$0x18080] =	vst v63  }
0xb9: {  	_ =	swait.ge [sflag:s10], $0x18000  }
0xba: {  	[sflag:s10] =	ssyncset.done $0x0  }
0xbb: {  	s11 =	rddreg [dreg:$0x4];
	[sflag:s10] =	ssyncadd.s32 $0xFFFE8000  }
0xbc: {  	[hbm4b:s11+s3] =	stream.linear.scatter [tilespmem:s0], [sflag:$0x2], $0x18000, $0x38;
	[tilespmem:$0x18080] =	vst v63  }
0xbd: {  	_ =	swait.ge [sflag:s8], $0x18000  }
0xbe: {  	[sflag:s8] =	ssyncset.done $0x0  }
0xbf: {  	s11 =	rddreg [dreg:$0x5];
	[sflag:s8] =	ssyncadd.s32 $0xFFFE8000  }
0xc0: {  	[tilespmem:s3], [sflag:$0x2] =	stream.linear.gather [hbm4b:s11+s3], $0x80, $0x38;
	[tilespmem:$0x18080] =	vst v63  }
0xc1: {  	_ =	swait.ge [sflag:s8], $0x80  }
0xc2: {  	[sflag:s8] =	ssyncset.done $0x0  }
0xc3: {  	[sflag:s8] =	ssyncadd.s32 $0xFFFFFF80  }
0xc4: {  	v4 =	vld [tilespmem:$0x0];
	_ =	sdelay $0x3  }
0xc5: {  	v5 =	vld [tilespmem:$0x10]  }
0xc6: {  	v56 =	vld [tilespmem:$0x20];
	v55 =	vadd.s32 v0, v4  }
0xc7: {  	v57 =	vld [tilespmem:$0x30];
	v58 =	vshrl.u32 v55, $0x3  }
0xc8: {  	v59 =	vld [tilespmem:$0x40];
	v9 =	vmul.u32 $0x30, v58  }
0xc9: {  	v60 =	vld [tilespmem:$0x50];
	v4 =	vand.u32 $0x7, v4  }
0xca: {  	v61 =	vld [tilespmem:$0x60];
	v5 =	vadd.s32 v0, v5;
	[tilespmem:$0x0] =	vst v55;
	v4 =	vor.u32 v4, v9  }
0xcb: {  	v62 =	vld [tilespmem:$0x70];
	[tilespmem:$0x10] =	vst v5;
	v5 =	vadd.s32 v0, v56;
	v9 =	vperm.xlane v4, v1  }
0xcc: {  	[tilespmem:$0x20] =	vst v5;
	v5 =	vadd.s32 v0, v57  }
0xcd: {  	[tilespmem:$0x30] =	vst v5;
	v5 =	vadd.s32 v0, v59;
	v63 =	vadd.s32 v2, v9  }
0xce: {  	[tilespmem:$0x40] =	vst v5;
	v5 =	vadd.s32 v0, v60  }
0xcf: {  	[tilespmem:$0x50] =	vst v5;
	v5 =	vadd.s32 v0, v61  }
0xd0: {  	[tilespmem:$0x60] =	vst v5;
	v5 =	vadd.s32 v0, v62  }
0xd1: {  	v4 =	vperm.xlane v4, v3;
	[tilespmem:$0x70] =	vst v5  }
0xd2: {  	[tilespmem:s0], [sflag:$0x1] =	stream.indirect_vreg.gather [hbm4b:s1+s3], $0x80, v63, vm0, $0xb8;
	[tilespmem:$0x18080] =	vst v63  }
0xd3: {  	v4 =	vadd.s32 v2, v4  }
0xd4: {  	[tilespmem:s12], [sflag:$0x1] =	stream.indirect_vreg.gather [hbm4b:s5+s3], $0x80, v63, vm0, $0xb8;
	[tilespmem:$0x18080] =	vst v63  }
0xd5: {  	_ = 	snop  }
0xd6: {  	[tilespmem:s13], [sflag:$0x1] =	stream.indirect_vreg.gather [hbm4b:s6+s3], $0x80, v63, vm0, $0xb8;
	[tilespmem:$0x18080] =	vst v63  }
0xd7: {  	_ = 	snop  }
0xd8: {  	[tilespmem:s4], [sflag:$0x1] =	stream.indirect_vreg.gather [hbm4b:s1+s3], $0x80, v4, vm0, $0xb8;
	[tilespmem:$0x18080] =	vst v63  }
0xd9: {  	_ = 	snop  }
0xda: {  	[tilespmem:s14], [sflag:$0x1] =	stream.indirect_vreg.gather [hbm4b:s5+s3], $0x80, v4, vm0, $0xb8;
	[tilespmem:$0x18080] =	vst v63  }
0xdb: {  	_ = 	snop  }
0xdc: {  	[tilespmem:s15], [sflag:$0x1] =	stream.indirect_vreg.gather [hbm4b:s6+s3], $0x80, v4, vm0, $0xb8;
	[tilespmem:$0x18080] =	vst v63  }
0xdd: {  	v4 =	vld [tilespmem:$0x10];
	_ =	sdelay $0x4  }
0xde: {  	v5 =	vshrl.u32 v4, $0x3  }
0xdf: {  	v5 =	vmul.u32 $0x30, v5  }
0xe0: {  	v4 =	vand.u32 $0x7, v4  }
0xe1: {  	v4 =	vor.u32 v4, v5  }
0xe2: {  	v5 =	vperm.xlane v4, v1;
	_ =	sdelay $0x1  }
0xe3: {  	v5 =	vadd.s32 v2, v5;
	_ =	sdelay $0x3  }
0xe4: {  	v4 =	vperm.xlane v4, v3  }
0xe5: {  	[tilespmem:s16], [sflag:$0x1] =	stream.indirect_vreg.gather [hbm4b:s1+s3], $0x80, v5, vm0, $0xb8;
	[tilespmem:$0x18080] =	vst v63  }
0xe6: {  	v4 =	vadd.s32 v2, v4  }
0xe7: {  	[tilespmem:s17], [sflag:$0x1] =	stream.indirect_vreg.gather [hbm4b:s5+s3], $0x80, v5, vm0, $0xb8;
	[tilespmem:$0x18080] =	vst v63  }
0xe8: {  	_ = 	snop  }
0xe9: {  	[tilespmem:s18], [sflag:$0x1] =	stream.indirect_vreg.gather [hbm4b:s6+s3], $0x80, v5, vm0, $0xb8;
	[tilespmem:$0x18080] =	vst v63  }
0xea: {  	_ = 	snop  }
0xeb: {  	[tilespmem:s19], [sflag:$0x1] =	stream.indirect_vreg.gather [hbm4b:s1+s3], $0x80, v4, vm0, $0xb8;
	[tilespmem:$0x18080] =	vst v63  }
0xec: {  	_ = 	snop  }
0xed: {  	[tilespmem:s20], [sflag:$0x1] =	stream.indirect_vreg.gather [hbm4b:s5+s3], $0x80, v4, vm0, $0xb8;
	[tilespmem:$0x18080] =	vst v63  }
0xee: {  	_ = 	snop  }
0xef: {  	[tilespmem:s21], [sflag:$0x1] =	stream.indirect_vreg.gather [hbm4b:s6+s3], $0x80, v4, vm0, $0xb8;
	[tilespmem:$0x18080] =	vst v63  }
0xf0: {  	v4 =	vld [tilespmem:$0x20];
	_ =	sdelay $0x4  }
0xf1: {  	v5 =	vshrl.u32 v4, $0x3  }
0xf2: {  	v5 =	vmul.u32 $0x30, v5  }
0xf3: {  	v4 =	vand.u32 $0x7, v4  }
0xf4: {  	v4 =	vor.u32 v4, v5  }
0xf5: {  	v5 =	vperm.xlane v4, v1;
	_ =	sdelay $0x1  }
0xf6: {  	v5 =	vadd.s32 v2, v5;
	_ =	sdelay $0x3  }
0xf7: {  	v4 =	vperm.xlane v4, v3  }
0xf8: {  	[tilespmem:s22], [sflag:$0x1] =	stream.indirect_vreg.gather [hbm4b:s1+s3], $0x80, v5, vm0, $0xb8;
	[tilespmem:$0x18080] =	vst v63  }
0xf9: {  	v4 =	vadd.s32 v2, v4  }
0xfa: {  	[tilespmem:s23], [sflag:$0x1] =	stream.indirect_vreg.gather [hbm4b:s5+s3], $0x80, v5, vm0, $0xb8;
	[tilespmem:$0x18080] =	vst v63  }
0xfb: {  	_ = 	snop  }
0xfc: {  	[tilespmem:s24], [sflag:$0x1] =	stream.indirect_vreg.gather [hbm4b:s6+s3], $0x80, v5, vm0, $0xb8;
	[tilespmem:$0x18080] =	vst v63  }
0xfd: {  	_ = 	snop  }
0xfe: {  	[tilespmem:s25], [sflag:$0x1] =	stream.indirect_vreg.gather [hbm4b:s1+s3], $0x80, v4, vm0, $0xb8;
	[tilespmem:$0x18080] =	vst v63  }
0xff: {  	_ = 	snop  }
0x100: {  	[tilespmem:s26], [sflag:$0x1] =	stream.indirect_vreg.gather [hbm4b:s5+s3], $0x80, v4, vm0, $0xb8;
	[tilespmem:$0x18080] =	vst v63  }
0x101: {  	_ = 	snop  }
0x102: {  	[tilespmem:s28], [sflag:$0x1] =	stream.indirect_vreg.gather [hbm4b:s6+s3], $0x80, v4, vm0, $0xb8;
	[tilespmem:$0x18080] =	vst v63  }
0x103: {  	v4 =	vld [tilespmem:$0x30];
	_ =	sdelay $0x4  }
0x104: {  	v5 =	vshrl.u32 v4, $0x3  }
0x105: {  	v5 =	vmul.u32 $0x30, v5  }
0x106: {  	v4 =	vand.u32 $0x7, v4  }
0x107: {  	v4 =	vor.u32 v4, v5  }
0x108: {  	v5 =	vperm.xlane v4, v1;
	_ =	sdelay $0x1  }
0x109: {  	v5 =	vadd.s32 v2, v5;
	_ =	sdelay $0x3  }
0x10a: {  	v4 =	vperm.xlane v4, v3  }
0x10b: {  	[tilespmem:s29], [sflag:$0x1] =	stream.indirect_vreg.gather [hbm4b:s1+s3], $0x80, v5, vm0, $0xb8;
	[tilespmem:$0x18080] =	vst v63  }
0x10c: {  	v4 =	vadd.s32 v2, v4  }
0x10d: {  	[tilespmem:s30], [sflag:$0x1] =	stream.indirect_vreg.gather [hbm4b:s5+s3], $0x80, v5, vm0, $0xb8;
	[tilespmem:$0x18080] =	vst v63  }
0x10e: {  	_ = 	snop  }
0x10f: {  	[tilespmem:s31], [sflag:$0x1] =	stream.indirect_vreg.gather [hbm4b:s6+s3], $0x80, v5, vm0, $0xb8;
	[tilespmem:$0x18080] =	vst v63  }
0x110: {  	s11 =	simm.s32 $0xA880  }
0x111: {  	[tilespmem:s11], [sflag:$0x1] =	stream.indirect_vreg.gather [hbm4b:s1+s3], $0x80, v4, vm0, $0xb8;
	[tilespmem:$0x18080] =	vst v63  }
0x112: {  	_ = 	snop  }
0x113: {  	[tilespmem:s2], [sflag:$0x1] =	stream.indirect_vreg.gather [hbm4b:s5+s3], $0x80, v4, vm0, $0xb8;
	[tilespmem:$0x18080] =	vst v63  }
0x114: {  	_ = 	snop  }
0x115: {  	[tilespmem:s9], [sflag:$0x1] =	stream.indirect_vreg.gather [hbm4b:s6+s3], $0x80, v4, vm0, $0xb8;
	[tilespmem:$0x18080] =	vst v63  }
0x116: {  	v4 =	vld [tilespmem:$0x40];
	_ =	sdelay $0x4  }
0x117: {  	v5 =	vshrl.u32 v4, $0x3  }
0x118: {  	v5 =	vmul.u32 $0x30, v5  }
0x119: {  	v4 =	vand.u32 $0x7, v4  }
0x11a: {  	v4 =	vor.u32 v4, v5  }
0x11b: {  	v5 =	vperm.xlane v4, v1;
	_ =	sdelay $0x1  }
0x11c: {  	v5 =	vadd.s32 v2, v5;
	_ =	sdelay $0x3  }
0x11d: {  	s4 =	simm.s32 $0xC080;
	v4 =	vperm.xlane v4, v3  }
0x11e: {  	[tilespmem:s4], [sflag:$0x1] =	stream.indirect_vreg.gather [hbm4b:s1+s3], $0x80, v5, vm0, $0xb8;
	[tilespmem:$0x18080] =	vst v63  }
0x11f: {  	s11 =	simm.s32 $0xC880;
	v4 =	vadd.s32 v2, v4  }
0x120: {  	[tilespmem:s11], [sflag:$0x1] =	stream.indirect_vreg.gather [hbm4b:s5+s3], $0x80, v5, vm0, $0xb8;
	[tilespmem:$0x18080] =	vst v63  }
0x121: {  	s4 =	simm.s32 $0xD080  }
0x122: {  	[tilespmem:s4], [sflag:$0x1] =	stream.indirect_vreg.gather [hbm4b:s6+s3], $0x80, v5, vm0, $0xb8;
	[tilespmem:$0x18080] =	vst v63  }
0x123: {  	s11 =	simm.s32 $0xD880  }
0x124: {  	[tilespmem:s11], [sflag:$0x1] =	stream.indirect_vreg.gather [hbm4b:s1+s3], $0x80, v4, vm0, $0xb8;
	[tilespmem:$0x18080] =	vst v63  }
0x125: {  	s4 =	simm.s32 $0xE080  }
0x126: {  	[tilespmem:s4], [sflag:$0x1] =	stream.indirect_vreg.gather [hbm4b:s5+s3], $0x80, v4, vm0, $0xb8;
	[tilespmem:$0x18080] =	vst v63  }
0x127: {  	s11 =	simm.s32 $0xE880  }
0x128: {  	[tilespmem:s11], [sflag:$0x1] =	stream.indirect_vreg.gather [hbm4b:s6+s3], $0x80, v4, vm0, $0xb8;
	[tilespmem:$0x18080] =	vst v63  }
0x129: {  	v4 =	vld [tilespmem:$0x50];
	_ =	sdelay $0x4  }
0x12a: {  	v5 =	vshrl.u32 v4, $0x3  }
0x12b: {  	v5 =	vmul.u32 $0x30, v5  }
0x12c: {  	v4 =	vand.u32 $0x7, v4  }
0x12d: {  	v4 =	vor.u32 v4, v5  }
0x12e: {  	v5 =	vperm.xlane v4, v1;
	_ =	sdelay $0x1  }
0x12f: {  	v5 =	vadd.s32 v2, v5;
	_ =	sdelay $0x3  }
0x130: {  	s4 =	simm.s32 $0xF080;
	v4 =	vperm.xlane v4, v3  }
0x131: {  	[tilespmem:s4], [sflag:$0x1] =	stream.indirect_vreg.gather [hbm4b:s1+s3], $0x80, v5, vm0, $0xb8;
	[tilespmem:$0x18080] =	vst v63  }
0x132: {  	s11 =	simm.s32 $0xF880;
	v4 =	vadd.s32 v2, v4  }
0x133: {  	[tilespmem:s11], [sflag:$0x1] =	stream.indirect_vreg.gather [hbm4b:s5+s3], $0x80, v5, vm0, $0xb8;
	[tilespmem:$0x18080] =	vst v63  }
0x134: {  	s4 =	simm.s32 $0x10080  }
0x135: {  	[tilespmem:s4], [sflag:$0x1] =	stream.indirect_vreg.gather [hbm4b:s6+s3], $0x80, v5, vm0, $0xb8;
	[tilespmem:$0x18080] =	vst v63  }
0x136: {  	s11 =	simm.s32 $0x10880  }
0x137: {  	[tilespmem:s11], [sflag:$0x1] =	stream.indirect_vreg.gather [hbm4b:s1+s3], $0x80, v4, vm0, $0xb8;
	[tilespmem:$0x18080] =	vst v63  }
0x138: {  	s4 =	simm.s32 $0x11080  }
0x139: {  	[tilespmem:s4], [sflag:$0x1] =	stream.indirect_vreg.gather [hbm4b:s5+s3], $0x80, v4, vm0, $0xb8;
	[tilespmem:$0x18080] =	vst v63  }
0x13a: {  	s11 =	simm.s32 $0x11880  }
0x13b: {  	[tilespmem:s11], [sflag:$0x1] =	stream.indirect_vreg.gather [hbm4b:s6+s3], $0x80, v4, vm0, $0xb8;
	[tilespmem:$0x18080] =	vst v63  }
0x13c: {  	v4 =	vld [tilespmem:$0x60];
	_ =	sdelay $0x4  }
0x13d: {  	v5 =	vshrl.u32 v4, $0x3  }
0x13e: {  	v5 =	vmul.u32 $0x30, v5  }
0x13f: {  	v4 =	vand.u32 $0x7, v4  }
0x140: {  	v4 =	vor.u32 v4, v5  }
0x141: {  	v5 =	vperm.xlane v4, v1;
	_ =	sdelay $0x1  }
0x142: {  	v5 =	vadd.s32 v2, v5;
	_ =	sdelay $0x3  }
0x143: {  	s4 =	simm.s32 $0x12080;
	v4 =	vperm.xlane v4, v3  }
0x144: {  	[tilespmem:s4], [sflag:$0x1] =	stream.indirect_vreg.gather [hbm4b:s1+s3], $0x80, v5, vm0, $0xb8;
	[tilespmem:$0x18080] =	vst v63  }
0x145: {  	s11 =	simm.s32 $0x12880;
	v4 =	vadd.s32 v2, v4  }
0x146: {  	[tilespmem:s11], [sflag:$0x1] =	stream.indirect_vreg.gather [hbm4b:s5+s3], $0x80, v5, vm0, $0xb8;
	[tilespmem:$0x18080] =	vst v63  }
0x147: {  	s4 =	simm.s32 $0x13080  }
0x148: {  	[tilespmem:s4], [sflag:$0x1] =	stream.indirect_vreg.gather [hbm4b:s6+s3], $0x80, v5, vm0, $0xb8;
	[tilespmem:$0x18080] =	vst v63  }
0x149: {  	s11 =	simm.s32 $0x13880  }
0x14a: {  	[tilespmem:s11], [sflag:$0x1] =	stream.indirect_vreg.gather [hbm4b:s1+s3], $0x80, v4, vm0, $0xb8;
	[tilespmem:$0x18080] =	vst v63  }
0x14b: {  	s4 =	simm.s32 $0x14080  }
0x14c: {  	[tilespmem:s4], [sflag:$0x1] =	stream.indirect_vreg.gather [hbm4b:s5+s3], $0x80, v4, vm0, $0xb8;
	[tilespmem:$0x18080] =	vst v63  }
0x14d: {  	s11 =	simm.s32 $0x14880  }
0x14e: {  	[tilespmem:s11], [sflag:$0x1] =	stream.indirect_vreg.gather [hbm4b:s6+s3], $0x80, v4, vm0, $0xb8;
	[tilespmem:$0x18080] =	vst v63  }
0x14f: {  	v4 =	vld [tilespmem:$0x70];
	_ =	sdelay $0x4  }
0x150: {  	v5 =	vshrl.u32 v4, $0x3  }
0x151: {  	v5 =	vmul.u32 $0x30, v5  }
0x152: {  	v4 =	vand.u32 $0x7, v4  }
0x153: {  	v4 =	vor.u32 v4, v5  }
0x154: {  	v5 =	vperm.xlane v4, v1;
	_ =	sdelay $0x1  }
0x155: {  	v5 =	vadd.s32 v2, v5;
	_ =	sdelay $0x3  }
0x156: {  	s4 =	simm.s32 $0x15080;
	v4 =	vperm.xlane v4, v3  }
0x157: {  	[tilespmem:s4], [sflag:$0x1] =	stream.indirect_vreg.gather [hbm4b:s1+s3], $0x80, v5, vm0, $0xb8;
	[tilespmem:$0x18080] =	vst v63  }
0x158: {  	s11 =	simm.s32 $0x15880;
	v4 =	vadd.s32 v2, v4  }
0x159: {  	[tilespmem:s11], [sflag:$0x1] =	stream.indirect_vreg.gather [hbm4b:s5+s3], $0x80, v5, vm0, $0xb8;
	[tilespmem:$0x18080] =	vst v63  }
0x15a: {  	s4 =	simm.s32 $0x16080  }
0x15b: {  	[tilespmem:s4], [sflag:$0x1] =	stream.indirect_vreg.gather [hbm4b:s6+s3], $0x80, v5, vm0, $0xb8;
	[tilespmem:$0x18080] =	vst v63  }
0x15c: {  	s11 =	simm.s32 $0x16880  }
0x15d: {  	[tilespmem:s11], [sflag:$0x1] =	stream.indirect_vreg.gather [hbm4b:s1+s3], $0x80, v4, vm0, $0xb8;
	[tilespmem:$0x18080] =	vst v63  }
0x15e: {  	s4 =	simm.s32 $0x17080  }
0x15f: {  	[tilespmem:s4], [sflag:$0x1] =	stream.indirect_vreg.gather [hbm4b:s5+s3], $0x80, v4, vm0, $0xb8;
	[tilespmem:$0x18080] =	vst v63  }
0x160: {  	s11 =	simm.s32 $0x17880  }
0x161: {  	[tilespmem:s11], [sflag:$0x1] =	stream.indirect_vreg.gather [hbm4b:s6+s3], $0x80, v4, vm0, $0xb8;
	[tilespmem:$0x18080] =	vst v63  }
0x162: {  	_ =	swait.ge [sflag:s10], $0x18000  }
0x163: {  	p0 =	sne.s32 s7, $0x1;
	[sflag:s10] =	ssyncset.done $0x0  }
.Ltmp0:
0x164: {  	s4 =	rddreg [dreg:$0x6];
	[sflag:s10] =	ssyncadd.s32 $0xFFFE8000;
	(pc) =	sbr.rel @p0 .LBB2_1-.Ltmp0, $4  }
0x165: {  	[hbm4b:s4+s3] =	stream.linear.scatter [tilespmem:s0], [sflag:$0x2], $0x18000, $0x38;
	[tilespmem:$0x18080] =	vst v63  }
0x166: {  	_ =	swait.ge [sflag:s8], $0x18000  }
0x167: {  	[sflag:s8] =	ssyncset.done $0x0  }
0x168: {  	s7 =	sadd.s32 $0xFFFFFFFF, s7;
	[sflag:s8] =	ssyncadd.s32 $0xFFFE8000  }
0x169: {  	_ =	sfence.sel $0x180000  }
0x16a: {  	[bflag:$0x0] =	sbarrier.arrive $0xFFFF  }
0x16b: {  	_ =	strace $0x90000047  }
0x16c: {  	s0 =	stileid.u32;
	[bflag:$0x2] =	sbarrier.arrive $0xFFFF  }
0x16d: {  	p0 =	sne.s32 s0, $0x0;
	s0 =	rddreg [dreg:$0x3]  }
0x16e: {  	s0 =	sadd.s32 @!p0 $0x100000, s0  }
0x16f: {  	[sflag:s0] =	ssyncadd.tile.s32 @!p0 $0x1;
	_ =	shalt  }
.Lfunc_end2:
_tile_overlayer_lowered:
.L_overlay_start_2:
0x170: {  	(tag) =	ssettag $0x2  }
0x171: {  	s0 =	rddreg [dreg:$0x0];
	s2 =	stileid.u32  }
0x172: {  	s1 =	rddreg [dreg:$0x1];
	p0 =	sne.s32 s2, $0x0  }
0x173: {  	s3 =	rddreg [dreg:$0x2];
	[bflag:$0x3] =	sbarrier.arrive $0xFFFF;
	s2 =	simm.s32 @!p0 $0x1C02  }
0x174: {  	[timem:s3], [sflag:s2] =	dma.local @!p0 [hbm:s0], s1  }
0x175: {  	s0 =	simm.s32 @!p0 $0x2  }
0x176: {  	_ =	swait.ge @!p0 [sflag:s0], s1  }
0x177: {  	s1 =	ssub.s32 @!p0 $0x0, s1;
	[sflag:s0] =	ssyncset.done @!p0 $0x0  }
0x178: {  	[sflag:s0] =	ssyncadd.s32 @!p0 s1  }
0x179: {  	[bflag:$0x3] =	sbarrier.arrive $0xFFFF  }
0x17a: {  	_ =	shalt  }

</sc_bundles>
